<compile_context>
chip_gen: v7x
topology: tpu7x:2x2x1
jax: 0.10.2.dev20260603
libtpu: 0.0.44.dev20260713+nightly
codegen_flags: <defaults>
</compile_context>

<pallas_src>
import functools

import jax
import jax.numpy as jnp
from jax import lax
from jax.experimental import pallas as pl
from jax.experimental.pallas import tpu as pltpu
from jax.experimental.pallas import tpu_sc as plsc

EMBED = 128
TABLE_ROWS = 32
N_TOTAL = 3276800


def _fuse_kernel(w_ref, out_ref):
    r = lax.broadcasted_iota(jnp.int32, (TABLE_ROWS, 64), 0)
    c = lax.broadcasted_iota(jnp.int32, (TABLE_ROWS, 64), 1)
    sel = (c == r // 8) | (c == 8 + r % 8) | (c == 24 + r)
    onehot = sel.astype(jnp.float32)
    out_ref[...] = jnp.dot(onehot, w_ref[...], preferred_element_type=jnp.float32)


def _build_fused_table(level_emb, pos_emb, sin_table):
    w = jnp.zeros((64, EMBED), jnp.float32)
    w = w.at[0:4, 0:32].set(level_emb)
    w = w.at[8:17, 32:64].set(pos_emb)
    w = w.at[24:49, 64:128].set(sin_table)
    return pl.pallas_call(
        _fuse_kernel,
        out_shape=jax.ShapeDtypeStruct((TABLE_ROWS, EMBED), jnp.float32),
    )(w)


_CHUNK = 128
_GRP = 4


def _gather_body(n_grps, fused_hbm, pos_hbm, out_hbm, *scr):
    (idx_a, idx_b, r0, r1, r2, r3, table_sh,
     sem_ia, sem_ib, sg0, sg1, sg2, sg3, so0, so1, so2, so3) = scr
    rows = (r0, r1, r2, r3)
    sem_g = (sg0, sg1, sg2, sg3)
    sem_o = (so0, so1, so2, so3)
    blk = _GRP * _CHUNK

    info = plsc.get_sparse_core_info()
    nc = info.num_cores
    sid = lax.axis_index("s")
    wid = sid * nc + lax.axis_index("c")
    per_w = n_grps * blk
    base = wid * per_w

    @pl.when(sid == 0)
    def _():
        pltpu.sync_copy(fused_hbm, table_sh)

    plsc.subcore_barrier()

    rbase = wid * n_grps * _GRP

    nw = info.num_cores * info.num_subcores

    def start_idx(j, idx_v, sem):
        off = (jnp.minimum(j, n_grps - 1) * nw + wid) * _GRP
        pltpu.make_async_copy(
            pos_hbm.at[pl.ds(off, _GRP)], idx_v.at[...], sem
        ).start()

    def wait_idx(idx_v, sem):
        pltpu.make_async_copy(
            pos_hbm.at[pl.ds(rbase, _GRP)], idx_v.at[...], sem
        ).wait()

    def wait_out(rows_v, sem):
        pltpu.make_async_copy(rows_v, out_hbm.at[pl.ds(base, _CHUNK)], sem).wait()

    def start_gather(idx_v, c, buf):
        pltpu.make_async_copy(
            table_sh.at[idx_v.at[c]], rows[buf], sem_g[buf]
        ).start()

    def wait_gather(idx_v, c, buf):
        pltpu.make_async_copy(
            table_sh.at[idx_v.at[c]], rows[buf], sem_g[buf]
        ).wait()

    def start_out(j, c, buf):
        off = (j * nw + wid) * blk + c * _CHUNK
        pltpu.make_async_copy(
            rows[buf], out_hbm.at[pl.ds(off, _CHUNK)], sem_o[buf]
        ).start()

    start_idx(0, idx_a, sem_ia)
    wait_idx(idx_a, sem_ia)
    start_idx(1, idx_b, sem_ib)
    start_gather(idx_a, 0, 0)
    start_gather(idx_a, 1, 1)

    def superstep(j, idx_v, idx_nv, sem_i, sem_in):
        for c in range(_GRP):
            i = j * _GRP + c
            nbuf = (c + 2) % _GRP

            @pl.when(i >= 2)
            def _():
                wait_out(rows[nbuf], sem_o[nbuf])

            if c < _GRP - 2:
                start_gather(idx_v, c + 2, nbuf)
            else:
                if c == _GRP - 2:
                    wait_idx(idx_nv, sem_in)
                start_gather(idx_nv, c + 2 - _GRP, nbuf)
            wait_gather(idx_v, c, c)
            start_out(j, c, c)
            if c == _GRP - 1:
                start_idx(j + 2, idx_v, sem_i)

    def pair(jj, _):
        superstep(2 * jj, idx_a, idx_b, sem_ia, sem_ib)
        superstep(2 * jj + 1, idx_b, idx_a, sem_ib, sem_ia)
        return 0

    lax.fori_loop(0, n_grps // 2, pair, 0)

    wait_gather(idx_a, 0, 0)
    wait_gather(idx_a, 1, 1)
    for c in range(2, _GRP):
        wait_out(rows[c], sem_o[c])
    wait_idx(idx_b, sem_ib)


def _sc_gather(fused, positions):
    n = positions.shape[0]
    info = plsc.get_sparse_core_info()
    nw = info.num_cores * info.num_subcores
    blk = _GRP * _CHUNK
    n_grps = n // (nw * blk)
    assert n_grps * nw * blk == n and n_grps % 2 == 0
    mesh = plsc.VectorSubcoreMesh(core_axis_name="c", subcore_axis_name="s")
    grid_kernel = pl.kernel(
        functools.partial(_gather_body, n_grps),
        out_type=jax.ShapeDtypeStruct((n, EMBED), jnp.float32),
        mesh=mesh,
        scratch_types=[
            pltpu.VMEM((_GRP, _CHUNK), jnp.int32),
            pltpu.VMEM((_GRP, _CHUNK), jnp.int32),
            pltpu.VMEM((_CHUNK, EMBED), jnp.float32),
            pltpu.VMEM((_CHUNK, EMBED), jnp.float32),
            pltpu.VMEM((_CHUNK, EMBED), jnp.float32),
            pltpu.VMEM((_CHUNK, EMBED), jnp.float32),
            pltpu.VMEM_SHARED((TABLE_ROWS, EMBED), jnp.float32),
        ] + [pltpu.SemaphoreType.DMA] * 10,
    )
    return grid_kernel(fused, positions.reshape(n // _CHUNK, _CHUNK))


def kernel(positions, level_embedding, position_in_level_embedding, sinusoidal_table):
    positions = positions.astype(jnp.int32)
    fused = _build_fused_table(level_embedding, position_in_level_embedding,
                               sinusoidal_table)
    return _sc_gather(fused, positions)

# --- scband reference (transcript-rebuilt; emitter-appended) ---
"""Pipeline reference for scband-positional-embedding-77051713290369 (READ-ONLY COPY).

The authoritative reference and input builder live on the scoring server;
editing this copy changes nothing except your own understanding.
"""

import jax, jax.numpy as jnp
import numpy as np

EMBED_DIM = 128
N = 3276800


def _sinusoidal_table(num_positions, dim):
    position = np.arange(num_positions, dtype=np.float32)[:, None]
    div_term = np.exp(np.arange(0, dim, 2, dtype=np.float32) * (-np.log(10000.0) / dim))
    table = np.concatenate([np.sin(position * div_term), np.cos(position * div_term)], axis=1)
    return jnp.asarray(table, dtype=jnp.float32)


def setup_inputs(seed: int = 0) -> dict:
    key = jax.random.key(seed)
    k1, k2, k3 = jax.random.split(key, 3)
    positions = jax.random.randint(k1, (N,), 0, 25, dtype=jnp.int64 if jax.config.read('jax_enable_x64') else jnp.int32)
    level_embedding = jax.random.normal(k2, (4, EMBED_DIM // 4), dtype=jnp.float32)
    position_in_level_embedding = jax.random.normal(k3, (9, EMBED_DIM // 4), dtype=jnp.float32)
    sinusoidal_table = _sinusoidal_table(25, EMBED_DIM // 2)
    return {
        'positions': positions,
        'level_embedding': level_embedding,
        'position_in_level_embedding': position_in_level_embedding,
        'sinusoidal_table': sinusoidal_table,
    }


def reference(positions, level_embedding, position_in_level_embedding, sinusoidal_table):
    level = positions // 8
    position_in_level = positions % 8
    sinusoidal_emb = jnp.take(sinusoidal_table, positions, axis=0)
    level_emb = jnp.take(level_embedding, level, axis=0)
    pos_emb = jnp.take(position_in_level_embedding, position_in_level, axis=0)
    return jnp.concatenate([level_emb, pos_emb, sinusoidal_emb], axis=1)

if __name__ == "__main__":
    import jax
    _d = setup_inputs()
    print(jax.jit(kernel)(*tuple(_d.values())))

</pallas_src>

<mosaic_0001>
#map = affine_map<(d0, d1) -> (0, 0)>
module attributes {stable_mosaic.version = 14 : i64} {
  func.func @_gather_body(%arg0: i32, %arg1: i32, %arg2: memref<32x128xf32, #tpu.memory_space<hbm>>, %arg3: memref<25600x128xi32, #tpu.memory_space<hbm>>, %arg4: memref<3276800x128xf32, #tpu.memory_space<hbm>>, %arg5: memref<4x128xi32, #tpu.memory_space<vmem>>, %arg6: memref<4x128xi32, #tpu.memory_space<vmem>>, %arg7: memref<128x128xf32, #tpu.memory_space<vmem>>, %arg8: memref<128x128xf32, #tpu.memory_space<vmem>>, %arg9: memref<128x128xf32, #tpu.memory_space<vmem>>, %arg10: memref<128x128xf32, #tpu.memory_space<vmem>>, %arg11: memref<32x128xf32, #tpu.memory_space<vmem_shared>>, %arg12: memref<!tpu.dma_semaphore, #tpu.memory_space<semaphore_mem>>, %arg13: memref<!tpu.dma_semaphore, #tpu.memory_space<semaphore_mem>>, %arg14: memref<!tpu.dma_semaphore, #tpu.memory_space<semaphore_mem>>, %arg15: memref<!tpu.dma_semaphore, #tpu.memory_space<semaphore_mem>>, %arg16: memref<!tpu.dma_semaphore, #tpu.memory_space<semaphore_mem>>, %arg17: memref<!tpu.dma_semaphore, #tpu.memory_space<semaphore_mem>>, %arg18: memref<!tpu.dma_semaphore, #tpu.memory_space<semaphore_mem>>, %arg19: memref<!tpu.dma_semaphore, #tpu.memory_space<semaphore_mem>>, %arg20: memref<!tpu.dma_semaphore, #tpu.memory_space<semaphore_mem>>, %arg21: memref<!tpu.dma_semaphore, #tpu.memory_space<semaphore_mem>>) attributes {dimension_semantics = [#tpu.dimension_semantics<core_parallel>, #tpu.dimension_semantics<subcore_parallel>], iteration_bounds = array<i64: 2, 16>, scalar_prefetch = 0 : i64, scratch_operands = 17 : i64, tpu.core_type = #tpu.core_type<sc_vector_subcore>, window_params = [{transform_indices = #map}, {transform_indices = #map}, {transform_indices = #map}]} {
    %mul3A = arith.constant 2 : i32
    %mul3A_0 = arith.muli %arg1, %mul3A : i32
    %add3A = arith.addi %mul3A_0, %arg0 : i32
    %mul3A_1 = arith.constant 102400 : i32
    %mul3A_2 = arith.muli %add3A, %mul3A_1 : i32
    %eq3A = arith.constant 0 : i32
    %eq3A_3 = arith.cmpi eq, %arg1, %eq3A : i32
    %convert_element_type3A = arith.extui %eq3A_3 : i1 to i32
    %cond3A = arith.constant 0 : i32
    %cond3A_4 = arith.cmpi ne, %convert_element_type3A, %cond3A : i32
    scf.if %cond3A_4 {
      "tpu.region"() ({
        %run_scoped3A = tpu.sem_alloc : memref<!tpu.dma_semaphore, #tpu.memory_space<semaphore_mem>>
        tpu.enqueue_dma source(%arg2 : memref<32x128xf32, #tpu.memory_space<hbm>>) target(%arg11 : memref<32x128xf32, #tpu.memory_space<vmem_shared>>) target_semaphore(%run_scoped3A : memref<!tpu.dma_semaphore, #tpu.memory_space<semaphore_mem>>)
        tpu.wait_dma2 semaphore(%run_scoped3A : memref<!tpu.dma_semaphore, #tpu.memory_space<semaphore_mem>>) src(%arg2 : memref<32x128xf32, #tpu.memory_space<hbm>>) dst(%arg11 : memref<32x128xf32, #tpu.memory_space<vmem_shared>>)
        tpu.yield
      }) : () -> ()
    } else {
    }
    %barrier3A = arith.constant 0 : index
    tpu.barrier barrier_id(%barrier3A)
    %mul3A_5 = arith.constant 200 : i32
    %mul3A_6 = arith.muli %add3A, %mul3A_5 : i32
    %mul3A_7 = arith.constant 4 : i32
    %mul3A_8 = arith.muli %mul3A_6, %mul3A_7 : i32
    %min3A = arith.constant 0 : i32
    %min3A_9 = arith.constant 199 : i32
    %min3A_10 = arith.minsi %min3A, %min3A_9 : i32
    %mul3A_11 = arith.constant 32 : i32
    %mul3A_12 = arith.muli %min3A_10, %mul3A_11 : i32
    %add3A_13 = arith.addi %mul3A_12, %add3A : i32
    %mul3A_14 = arith.constant 4 : i32
    %mul3A_15 = arith.muli %add3A_13, %mul3A_14 : i32
    %dma_start3A = arith.constant 0 : i32
    %dma_start3A_16 = arith.constant 0 : i32
    %dma_start3A_17 = tpu.memref_slice %arg5[%dma_start3A, %dma_start3A_16] : memref<4x128xi32, #tpu.memory_space<vmem>> -> memref<4x128xi32, #tpu.memory_space<vmem>>
    %dma_start3A_18 = arith.constant 0 : i32
    %dma_start3A_19 = tpu.memref_slice %arg3[%mul3A_15, %dma_start3A_18] : memref<25600x128xi32, #tpu.memory_space<hbm>> -> memref<4x128xi32, #tpu.memory_space<hbm>>
    %dma_start3A_20 = arith.constant 0 : i32
    %dma_start3A_21 = arith.constant 0 : i32
    %dma_start3A_22 = tpu.memref_slice %arg5[%dma_start3A_20, %dma_start3A_21] : memref<4x128xi32, #tpu.memory_space<vmem>> -> memref<4x128xi32, #tpu.memory_space<vmem>>
    %dma_start3A_23 = arith.constant 0 : i32
    %dma_start3A_24 = tpu.memref_slice %arg3[%mul3A_15, %dma_start3A_23] : memref<25600x128xi32, #tpu.memory_space<hbm>> -> memref<4x128xi32, #tpu.memory_space<hbm>>
    tpu.enqueue_dma source(%dma_start3A_24 : memref<4x128xi32, #tpu.memory_space<hbm>>) target(%dma_start3A_22 : memref<4x128xi32, #tpu.memory_space<vmem>>) target_semaphore(%arg12 : memref<!tpu.dma_semaphore, #tpu.memory_space<semaphore_mem>>)
    %dma_wait3A = arith.constant 0 : i32
    %dma_wait3A_25 = arith.constant 0 : i32
    %dma_wait3A_26 = tpu.memref_slice %arg5[%dma_wait3A, %dma_wait3A_25] : memref<4x128xi32, #tpu.memory_space<vmem>> -> memref<4x128xi32, #tpu.memory_space<vmem>>
    %dma_wait3A_27 = arith.constant 0 : i32
    %dma_wait3A_28 = tpu.memref_slice %arg3[%mul3A_8, %dma_wait3A_27] : memref<25600x128xi32, #tpu.memory_space<hbm>> -> memref<4x128xi32, #tpu.memory_space<hbm>>
    %dma_wait3A_29 = arith.constant 0 : i32
    %dma_wait3A_30 = arith.constant 0 : i32
    %dma_wait3A_31 = tpu.memref_slice %arg5[%dma_wait3A_29, %dma_wait3A_30] : memref<4x128xi32, #tpu.memory_space<vmem>> -> memref<4x128xi32, #tpu.memory_space<vmem>>
    %dma_wait3A_32 = arith.constant 0 : i32
    %dma_wait3A_33 = tpu.memref_slice %arg3[%mul3A_8, %dma_wait3A_32] : memref<25600x128xi32, #tpu.memory_space<hbm>> -> memref<4x128xi32, #tpu.memory_space<hbm>>
    tpu.wait_dma2 semaphore(%arg12 : memref<!tpu.dma_semaphore, #tpu.memory_space<semaphore_mem>>) src(%dma_wait3A_33 : memref<4x128xi32, #tpu.memory_space<hbm>>) dst(%dma_wait3A_31 : memref<4x128xi32, #tpu.memory_space<vmem>>)
    %min3A_34 = arith.constant 1 : i32
    %min3A_35 = arith.constant 199 : i32
    %min3A_36 = arith.minsi %min3A_34, %min3A_35 : i32
    %mul3A_37 = arith.constant 32 : i32
    %mul3A_38 = arith.muli %min3A_36, %mul3A_37 : i32
    %add3A_39 = arith.addi %mul3A_38, %add3A : i32
    %mul3A_40 = arith.constant 4 : i32
    %mul3A_41 = arith.muli %add3A_39, %mul3A_40 : i32
    %dma_start3A_42 = arith.constant 0 : i32
    %dma_start3A_43 = arith.constant 0 : i32
    %dma_start3A_44 = tpu.memref_slice %arg6[%dma_start3A_42, %dma_start3A_43] : memref<4x128xi32, #tpu.memory_space<vmem>> -> memref<4x128xi32, #tpu.memory_space<vmem>>
    %dma_start3A_45 = arith.constant 0 : i32
    %dma_start3A_46 = tpu.memref_slice %arg3[%mul3A_41, %dma_start3A_45] : memref<25600x128xi32, #tpu.memory_space<hbm>> -> memref<4x128xi32, #tpu.memory_space<hbm>>
    %dma_start3A_47 = arith.constant 0 : i32
    %dma_start3A_48 = arith.constant 0 : i32
    %dma_start3A_49 = tpu.memref_slice %arg6[%dma_start3A_47, %dma_start3A_48] : memref<4x128xi32, #tpu.memory_space<vmem>> -> memref<4x128xi32, #tpu.memory_space<vmem>>
    %dma_start3A_50 = arith.constant 0 : i32
    %dma_start3A_51 = tpu.memref_slice %arg3[%mul3A_41, %dma_start3A_50] : memref<25600x128xi32, #tpu.memory_space<hbm>> -> memref<4x128xi32, #tpu.memory_space<hbm>>
    tpu.enqueue_dma source(%dma_start3A_51 : memref<4x128xi32, #tpu.memory_space<hbm>>) target(%dma_start3A_49 : memref<4x128xi32, #tpu.memory_space<vmem>>) target_semaphore(%arg13 : memref<!tpu.dma_semaphore, #tpu.memory_space<semaphore_mem>>)
    %dma_start3A_52 = arith.constant 0 : i32
    %dma_start3A_53 = arith.constant 0 : i32
    %dma_start3A_54 = tpu.memref_slice %arg5[%dma_start3A_52, %dma_start3A_53] : memref<4x128xi32, #tpu.memory_space<vmem>> -> memref<1x128xi32, #tpu.memory_space<vmem>>
    %dma_start3A_55 = tpu.memref_squeeze %dma_start3A_54 : memref<1x128xi32, #tpu.memory_space<vmem>> -> memref<128xi32, #tpu.memory_space<vmem>>
    %dma_start3A_56 = arith.constant 0 : i32
    %dma_start3A_57 = arith.constant 0 : i32
    %dma_start3A_58 = tpu.memref_slice %arg11[%dma_start3A_56, %dma_start3A_57] : memref<32x128xf32, #tpu.memory_space<vmem_shared>> -> memref<32x128xf32, #tpu.memory_space<vmem_shared>>
    tpu.enqueue_indirect_dma source(%dma_start3A_58 : memref<32x128xf32, #tpu.memory_space<vmem_shared>>) target(%arg7 : memref<128x128xf32, #tpu.memory_space<vmem>>) offsets(%dma_start3A_55 : memref<128xi32, #tpu.memory_space<vmem>>) semaphore(%arg14 : memref<!tpu.dma_semaphore, #tpu.memory_space<semaphore_mem>>)
    %dma_start3A_59 = arith.constant 1 : i32
    %dma_start3A_60 = arith.constant 0 : i32
    %dma_start3A_61 = tpu.memref_slice %arg5[%dma_start3A_59, %dma_start3A_60] : memref<4x128xi32, #tpu.memory_space<vmem>> -> memref<1x128xi32, #tpu.memory_space<vmem>>
    %dma_start3A_62 = tpu.memref_squeeze %dma_start3A_61 : memref<1x128xi32, #tpu.memory_space<vmem>> -> memref<128xi32, #tpu.memory_space<vmem>>
    %dma_start3A_63 = arith.constant 0 : i32
    %dma_start3A_64 = arith.constant 0 : i32
    %dma_start3A_65 = tpu.memref_slice %arg11[%dma_start3A_63, %dma_start3A_64] : memref<32x128xf32, #tpu.memory_space<vmem_shared>> -> memref<32x128xf32, #tpu.memory_space<vmem_shared>>
    tpu.enqueue_indirect_dma source(%dma_start3A_65 : memref<32x128xf32, #tpu.memory_space<vmem_shared>>) target(%arg8 : memref<128x128xf32, #tpu.memory_space<vmem>>) offsets(%dma_start3A_62 : memref<128xi32, #tpu.memory_space<vmem>>) semaphore(%arg15 : memref<!tpu.dma_semaphore, #tpu.memory_space<semaphore_mem>>)
    %scan3A = arith.constant 0 : i32
    %scan3A_66 = arith.constant 0 : i32
    %scan3A_67 = arith.constant 100 : i32
    %scan3A_68 = arith.addi %scan3A_66, %scan3A_67 : i32
    %scan3A_69 = arith.constant 1 : i32
    %scan3A_70 = scf.for %scan3A_104 = %scan3A_66 to %scan3A_68 step %scan3A_69 iter_args(%scan3A_105 = %scan3A) -> (i32)  : i32 {
      %mul3A_106 = arith.constant 2 : i32
      %mul3A_107 = arith.muli %mul3A_106, %scan3A_104 : i32
      %mul3A_108 = arith.constant 4 : i32
      %mul3A_109 = arith.muli %mul3A_107, %mul3A_108 : i32
      %add3A_110 = arith.constant 0 : i32
      %add3A_111 = arith.addi %mul3A_109, %add3A_110 : i32
      %ge3A = arith.constant 2 : i32
      %ge3A_112 = arith.cmpi sge, %add3A_111, %ge3A : i32
      %convert_element_type3A_113 = arith.extui %ge3A_112 : i1 to i32
      %cond3A_114 = arith.constant 0 : i32
      %cond3A_115 = arith.cmpi ne, %convert_element_type3A_113, %cond3A_114 : i32
      scf.if %cond3A_115 {
        %dma_wait3A_442 = arith.constant 0 : i32
        %dma_wait3A_443 = tpu.memref_slice %arg4[%mul3A_2, %dma_wait3A_442] : memref<3276800x128xf32, #tpu.memory_space<hbm>> -> memref<128x128xf32, #tpu.memory_space<hbm>>
        %dma_wait3A_444 = arith.constant 0 : i32
        %dma_wait3A_445 = tpu.memref_slice %arg4[%mul3A_2, %dma_wait3A_444] : memref<3276800x128xf32, #tpu.memory_space<hbm>> -> memref<128x128xf32, #tpu.memory_space<hbm>>
        tpu.wait_dma2 semaphore(%arg20 : memref<!tpu.dma_semaphore, #tpu.memory_space<semaphore_mem>>) src(%arg9 : memref<128x128xf32, #tpu.memory_space<vmem>>) dst(%dma_wait3A_445 : memref<128x128xf32, #tpu.memory_space<hbm>>)
      } else {
      }
      %dma_start3A_116 = arith.constant 2 : i32
      %dma_start3A_117 = arith.constant 0 : i32
      %dma_start3A_118 = tpu.memref_slice %arg5[%dma_start3A_116, %dma_start3A_117] : memref<4x128xi32, #tpu.memory_space<vmem>> -> memref<1x128xi32, #tpu.memory_space<vmem>>
      %dma_start3A_119 = tpu.memref_squeeze %dma_start3A_118 : memref<1x128xi32, #tpu.memory_space<vmem>> -> memref<128xi32, #tpu.memory_space<vmem>>
      %dma_start3A_120 = arith.constant 0 : i32
      %dma_start3A_121 = arith.constant 0 : i32
      %dma_start3A_122 = tpu.memref_slice %arg11[%dma_start3A_120, %dma_start3A_121] : memref<32x128xf32, #tpu.memory_space<vmem_shared>> -> memref<32x128xf32, #tpu.memory_space<vmem_shared>>
      tpu.enqueue_indirect_dma source(%dma_start3A_122 : memref<32x128xf32, #tpu.memory_space<vmem_shared>>) target(%arg9 : memref<128x128xf32, #tpu.memory_space<vmem>>) offsets(%dma_start3A_119 : memref<128xi32, #tpu.memory_space<vmem>>) semaphore(%arg16 : memref<!tpu.dma_semaphore, #tpu.memory_space<semaphore_mem>>)
      %dma_wait3A_123 = arith.constant 0 : i32
      %dma_wait3A_124 = arith.constant 0 : i32
      %dma_wait3A_125 = tpu.memref_slice %arg5[%dma_wait3A_123, %dma_wait3A_124] : memref<4x128xi32, #tpu.memory_space<vmem>> -> memref<1x128xi32, #tpu.memory_space<vmem>>
      %dma_wait3A_126 = tpu.memref_squeeze %dma_wait3A_125 : memref<1x128xi32, #tpu.memory_space<vmem>> -> memref<128xi32, #tpu.memory_space<vmem>>
      %dma_wait3A_127 = arith.constant 0 : i32
      %dma_wait3A_128 = arith.constant 0 : i32
      %dma_wait3A_129 = tpu.memref_slice %arg11[%dma_wait3A_127, %dma_wait3A_128] : memref<32x128xf32, #tpu.memory_space<vmem_shared>> -> memref<32x128xf32, #tpu.memory_space<vmem_shared>>
      tpu.wait_indirect_dma semaphore(%arg14 : memref<!tpu.dma_semaphore, #tpu.memory_space<semaphore_mem>>) src(%dma_wait3A_129 : memref<32x128xf32, #tpu.memory_space<vmem_shared>>) dst(%arg7 : memref<128x128xf32, #tpu.memory_space<vmem>>)
      %mul3A_130 = arith.constant 32 : i32
      %mul3A_131 = arith.muli %mul3A_107, %mul3A_130 : i32
      %add3A_132 = arith.addi %mul3A_131, %add3A : i32
      %mul3A_133 = arith.constant 512 : i32
      %mul3A_134 = arith.muli %add3A_132, %mul3A_133 : i32
      %add3A_135 = arith.constant 0 : i32
      %add3A_136 = arith.addi %mul3A_134, %add3A_135 : i32
      %dma_start3A_137 = arith.constant 0 : i32
      %dma_start3A_138 = tpu.memref_slice %arg4[%add3A_136, %dma_start3A_137] : memref<3276800x128xf32, #tpu.memory_space<hbm>> -> memref<128x128xf32, #tpu.memory_space<hbm>>
      %dma_start3A_139 = arith.constant 0 : i32
      %dma_start3A_140 = tpu.memref_slice %arg4[%add3A_136, %dma_start3A_139] : memref<3276800x128xf32, #tpu.memory_space<hbm>> -> memref<128x128xf32, #tpu.memory_space<hbm>>
      tpu.enqueue_dma source(%arg7 : memref<128x128xf32, #tpu.memory_space<vmem>>) target(%dma_start3A_140 : memref<128x128xf32, #tpu.memory_space<hbm>>) target_semaphore(%arg18 : memref<!tpu.dma_semaphore, #tpu.memory_space<semaphore_mem>>)
      %mul3A_141 = arith.constant 4 : i32
      %mul3A_142 = arith.muli %mul3A_107, %mul3A_141 : i32
      %add3A_143 = arith.constant 1 : i32
      %add3A_144 = arith.addi %mul3A_142, %add3A_143 : i32
      %ge3A_145 = arith.constant 2 : i32
      %ge3A_146 = arith.cmpi sge, %add3A_144, %ge3A_145 : i32
      %convert_element_type3A_147 = arith.extui %ge3A_146 : i1 to i32
      %cond3A_148 = arith.constant 0 : i32
      %cond3A_149 = arith.cmpi ne, %convert_element_type3A_147, %cond3A_148 : i32
      scf.if %cond3A_149 {
        %dma_wait3A_442 = arith.constant 0 : i32
        %dma_wait3A_443 = tpu.memref_slice %arg4[%mul3A_2, %dma_wait3A_442] : memref<3276800x128xf32, #tpu.memory_space<hbm>> -> memref<128x128xf32, #tpu.memory_space<hbm>>
        %dma_wait3A_444 = arith.constant 0 : i32
        %dma_wait3A_445 = tpu.memref_slice %arg4[%mul3A_2, %dma_wait3A_444] : memref<3276800x128xf32, #tpu.memory_space<hbm>> -> memref<128x128xf32, #tpu.memory_space<hbm>>
        tpu.wait_dma2 semaphore(%arg21 : memref<!tpu.dma_semaphore, #tpu.memory_space<semaphore_mem>>) src(%arg10 : memref<128x128xf32, #tpu.memory_space<vmem>>) dst(%dma_wait3A_445 : memref<128x128xf32, #tpu.memory_space<hbm>>)
      } else {
      }
      %dma_start3A_150 = arith.constant 3 : i32
      %dma_start3A_151 = arith.constant 0 : i32
      %dma_start3A_152 = tpu.memref_slice %arg5[%dma_start3A_150, %dma_start3A_151] : memref<4x128xi32, #tpu.memory_space<vmem>> -> memref<1x128xi32, #tpu.memory_space<vmem>>
      %dma_start3A_153 = tpu.memref_squeeze %dma_start3A_152 : memref<1x128xi32, #tpu.memory_space<vmem>> -> memref<128xi32, #tpu.memory_space<vmem>>
      %dma_start3A_154 = arith.constant 0 : i32
      %dma_start3A_155 = arith.constant 0 : i32
      %dma_start3A_156 = tpu.memref_slice %arg11[%dma_start3A_154, %dma_start3A_155] : memref<32x128xf32, #tpu.memory_space<vmem_shared>> -> memref<32x128xf32, #tpu.memory_space<vmem_shared>>
      tpu.enqueue_indirect_dma source(%dma_start3A_156 : memref<32x128xf32, #tpu.memory_space<vmem_shared>>) target(%arg10 : memref<128x128xf32, #tpu.memory_space<vmem>>) offsets(%dma_start3A_153 : memref<128xi32, #tpu.memory_space<vmem>>) semaphore(%arg17 : memref<!tpu.dma_semaphore, #tpu.memory_space<semaphore_mem>>)
      %dma_wait3A_157 = arith.constant 1 : i32
      %dma_wait3A_158 = arith.constant 0 : i32
      %dma_wait3A_159 = tpu.memref_slice %arg5[%dma_wait3A_157, %dma_wait3A_158] : memref<4x128xi32, #tpu.memory_space<vmem>> -> memref<1x128xi32, #tpu.memory_space<vmem>>
      %dma_wait3A_160 = tpu.memref_squeeze %dma_wait3A_159 : memref<1x128xi32, #tpu.memory_space<vmem>> -> memref<128xi32, #tpu.memory_space<vmem>>
      %dma_wait3A_161 = arith.constant 0 : i32
      %dma_wait3A_162 = arith.constant 0 : i32
      %dma_wait3A_163 = tpu.memref_slice %arg11[%dma_wait3A_161, %dma_wait3A_162] : memref<32x128xf32, #tpu.memory_space<vmem_shared>> -> memref<32x128xf32, #tpu.memory_space<vmem_shared>>
      tpu.wait_indirect_dma semaphore(%arg15 : memref<!tpu.dma_semaphore, #tpu.memory_space<semaphore_mem>>) src(%dma_wait3A_163 : memref<32x128xf32, #tpu.memory_space<vmem_shared>>) dst(%arg8 : memref<128x128xf32, #tpu.memory_space<vmem>>)
      %mul3A_164 = arith.constant 32 : i32
      %mul3A_165 = arith.muli %mul3A_107, %mul3A_164 : i32
      %add3A_166 = arith.addi %mul3A_165, %add3A : i32
      %mul3A_167 = arith.constant 512 : i32
      %mul3A_168 = arith.muli %add3A_166, %mul3A_167 : i32
      %add3A_169 = arith.constant 128 : i32
      %add3A_170 = arith.addi %mul3A_168, %add3A_169 : i32
      %dma_start3A_171 = arith.constant 0 : i32
      %dma_start3A_172 = tpu.memref_slice %arg4[%add3A_170, %dma_start3A_171] : memref<3276800x128xf32, #tpu.memory_space<hbm>> -> memref<128x128xf32, #tpu.memory_space<hbm>>
      %dma_start3A_173 = arith.constant 0 : i32
      %dma_start3A_174 = tpu.memref_slice %arg4[%add3A_170, %dma_start3A_173] : memref<3276800x128xf32, #tpu.memory_space<hbm>> -> memref<128x128xf32, #tpu.memory_space<hbm>>
      tpu.enqueue_dma source(%arg8 : memref<128x128xf32, #tpu.memory_space<vmem>>) target(%dma_start3A_174 : memref<128x128xf32, #tpu.memory_space<hbm>>) target_semaphore(%arg19 : memref<!tpu.dma_semaphore, #tpu.memory_space<semaphore_mem>>)
      %mul3A_175 = arith.constant 4 : i32
      %mul3A_176 = arith.muli %mul3A_107, %mul3A_175 : i32
      %add3A_177 = arith.constant 2 : i32
      %add3A_178 = arith.addi %mul3A_176, %add3A_177 : i32
      %ge3A_179 = arith.constant 2 : i32
      %ge3A_180 = arith.cmpi sge, %add3A_178, %ge3A_179 : i32
      %convert_element_type3A_181 = arith.extui %ge3A_180 : i1 to i32
      %cond3A_182 = arith.constant 0 : i32
      %cond3A_183 = arith.cmpi ne, %convert_element_type3A_181, %cond3A_182 : i32
      scf.if %cond3A_183 {
        %dma_wait3A_442 = arith.constant 0 : i32
        %dma_wait3A_443 = tpu.memref_slice %arg4[%mul3A_2, %dma_wait3A_442] : memref<3276800x128xf32, #tpu.memory_space<hbm>> -> memref<128x128xf32, #tpu.memory_space<hbm>>
        %dma_wait3A_444 = arith.constant 0 : i32
        %dma_wait3A_445 = tpu.memref_slice %arg4[%mul3A_2, %dma_wait3A_444] : memref<3276800x128xf32, #tpu.memory_space<hbm>> -> memref<128x128xf32, #tpu.memory_space<hbm>>
        tpu.wait_dma2 semaphore(%arg18 : memref<!tpu.dma_semaphore, #tpu.memory_space<semaphore_mem>>) src(%arg7 : memref<128x128xf32, #tpu.memory_space<vmem>>) dst(%dma_wait3A_445 : memref<128x128xf32, #tpu.memory_space<hbm>>)
      } else {
      }
      %dma_wait3A_184 = arith.constant 0 : i32
      %dma_wait3A_185 = arith.constant 0 : i32
      %dma_wait3A_186 = tpu.memref_slice %arg6[%dma_wait3A_184, %dma_wait3A_185] : memref<4x128xi32, #tpu.memory_space<vmem>> -> memref<4x128xi32, #tpu.memory_space<vmem>>
      %dma_wait3A_187 = arith.constant 0 : i32
      %dma_wait3A_188 = tpu.memref_slice %arg3[%mul3A_8, %dma_wait3A_187] : memref<25600x128xi32, #tpu.memory_space<hbm>> -> memref<4x128xi32, #tpu.memory_space<hbm>>
      %dma_wait3A_189 = arith.constant 0 : i32
      %dma_wait3A_190 = arith.constant 0 : i32
      %dma_wait3A_191 = tpu.memref_slice %arg6[%dma_wait3A_189, %dma_wait3A_190] : memref<4x128xi32, #tpu.memory_space<vmem>> -> memref<4x128xi32, #tpu.memory_space<vmem>>
      %dma_wait3A_192 = arith.constant 0 : i32
      %dma_wait3A_193 = tpu.memref_slice %arg3[%mul3A_8, %dma_wait3A_192] : memref<25600x128xi32, #tpu.memory_space<hbm>> -> memref<4x128xi32, #tpu.memory_space<hbm>>
      tpu.wait_dma2 semaphore(%arg13 : memref<!tpu.dma_semaphore, #tpu.memory_space<semaphore_mem>>) src(%dma_wait3A_193 : memref<4x128xi32, #tpu.memory_space<hbm>>) dst(%dma_wait3A_191 : memref<4x128xi32, #tpu.memory_space<vmem>>)
      %dma_start3A_194 = arith.constant 0 : i32
      %dma_start3A_195 = arith.constant 0 : i32
      %dma_start3A_196 = tpu.memref_slice %arg6[%dma_start3A_194, %dma_start3A_195] : memref<4x128xi32, #tpu.memory_space<vmem>> -> memref<1x128xi32, #tpu.memory_space<vmem>>
      %dma_start3A_197 = tpu.memref_squeeze %dma_start3A_196 : memref<1x128xi32, #tpu.memory_space<vmem>> -> memref<128xi32, #tpu.memory_space<vmem>>
      %dma_start3A_198 = arith.constant 0 : i32
      %dma_start3A_199 = arith.constant 0 : i32
      %dma_start3A_200 = tpu.memref_slice %arg11[%dma_start3A_198, %dma_start3A_199] : memref<32x128xf32, #tpu.memory_space<vmem_shared>> -> memref<32x128xf32, #tpu.memory_space<vmem_shared>>
      tpu.enqueue_indirect_dma source(%dma_start3A_200 : memref<32x128xf32, #tpu.memory_space<vmem_shared>>) target(%arg7 : memref<128x128xf32, #tpu.memory_space<vmem>>) offsets(%dma_start3A_197 : memref<128xi32, #tpu.memory_space<vmem>>) semaphore(%arg14 : memref<!tpu.dma_semaphore, #tpu.memory_space<semaphore_mem>>)
      %dma_wait3A_201 = arith.constant 2 : i32
      %dma_wait3A_202 = arith.constant 0 : i32
      %dma_wait3A_203 = tpu.memref_slice %arg5[%dma_wait3A_201, %dma_wait3A_202] : memref<4x128xi32, #tpu.memory_space<vmem>> -> memref<1x128xi32, #tpu.memory_space<vmem>>
      %dma_wait3A_204 = tpu.memref_squeeze %dma_wait3A_203 : memref<1x128xi32, #tpu.memory_space<vmem>> -> memref<128xi32, #tpu.memory_space<vmem>>
      %dma_wait3A_205 = arith.constant 0 : i32
      %dma_wait3A_206 = arith.constant 0 : i32
      %dma_wait3A_207 = tpu.memref_slice %arg11[%dma_wait3A_205, %dma_wait3A_206] : memref<32x128xf32, #tpu.memory_space<vmem_shared>> -> memref<32x128xf32, #tpu.memory_space<vmem_shared>>
      tpu.wait_indirect_dma semaphore(%arg16 : memref<!tpu.dma_semaphore, #tpu.memory_space<semaphore_mem>>) src(%dma_wait3A_207 : memref<32x128xf32, #tpu.memory_space<vmem_shared>>) dst(%arg9 : memref<128x128xf32, #tpu.memory_space<vmem>>)
      %mul3A_208 = arith.constant 32 : i32
      %mul3A_209 = arith.muli %mul3A_107, %mul3A_208 : i32
      %add3A_210 = arith.addi %mul3A_209, %add3A : i32
      %mul3A_211 = arith.constant 512 : i32
      %mul3A_212 = arith.muli %add3A_210, %mul3A_211 : i32
      %add3A_213 = arith.constant 256 : i32
      %add3A_214 = arith.addi %mul3A_212, %add3A_213 : i32
      %dma_start3A_215 = arith.constant 0 : i32
      %dma_start3A_216 = tpu.memref_slice %arg4[%add3A_214, %dma_start3A_215] : memref<3276800x128xf32, #tpu.memory_space<hbm>> -> memref<128x128xf32, #tpu.memory_space<hbm>>
      %dma_start3A_217 = arith.constant 0 : i32
      %dma_start3A_218 = tpu.memref_slice %arg4[%add3A_214, %dma_start3A_217] : memref<3276800x128xf32, #tpu.memory_space<hbm>> -> memref<128x128xf32, #tpu.memory_space<hbm>>
      tpu.enqueue_dma source(%arg9 : memref<128x128xf32, #tpu.memory_space<vmem>>) target(%dma_start3A_218 : memref<128x128xf32, #tpu.memory_space<hbm>>) target_semaphore(%arg20 : memref<!tpu.dma_semaphore, #tpu.memory_space<semaphore_mem>>)
      %mul3A_219 = arith.constant 4 : i32
      %mul3A_220 = arith.muli %mul3A_107, %mul3A_219 : i32
      %add3A_221 = arith.constant 3 : i32
      %add3A_222 = arith.addi %mul3A_220, %add3A_221 : i32
      %ge3A_223 = arith.constant 2 : i32
      %ge3A_224 = arith.cmpi sge, %add3A_222, %ge3A_223 : i32
      %convert_element_type3A_225 = arith.extui %ge3A_224 : i1 to i32
      %cond3A_226 = arith.constant 0 : i32
      %cond3A_227 = arith.cmpi ne, %convert_element_type3A_225, %cond3A_226 : i32
      scf.if %cond3A_227 {
        %dma_wait3A_442 = arith.constant 0 : i32
        %dma_wait3A_443 = tpu.memref_slice %arg4[%mul3A_2, %dma_wait3A_442] : memref<3276800x128xf32, #tpu.memory_space<hbm>> -> memref<128x128xf32, #tpu.memory_space<hbm>>
        %dma_wait3A_444 = arith.constant 0 : i32
        %dma_wait3A_445 = tpu.memref_slice %arg4[%mul3A_2, %dma_wait3A_444] : memref<3276800x128xf32, #tpu.memory_space<hbm>> -> memref<128x128xf32, #tpu.memory_space<hbm>>
        tpu.wait_dma2 semaphore(%arg19 : memref<!tpu.dma_semaphore, #tpu.memory_space<semaphore_mem>>) src(%arg8 : memref<128x128xf32, #tpu.memory_space<vmem>>) dst(%dma_wait3A_445 : memref<128x128xf32, #tpu.memory_space<hbm>>)
      } else {
      }
      %dma_start3A_228 = arith.constant 1 : i32
      %dma_start3A_229 = arith.constant 0 : i32
      %dma_start3A_230 = tpu.memref_slice %arg6[%dma_start3A_228, %dma_start3A_229] : memref<4x128xi32, #tpu.memory_space<vmem>> -> memref<1x128xi32, #tpu.memory_space<vmem>>
      %dma_start3A_231 = tpu.memref_squeeze %dma_start3A_230 : memref<1x128xi32, #tpu.memory_space<vmem>> -> memref<128xi32, #tpu.memory_space<vmem>>
      %dma_start3A_232 = arith.constant 0 : i32
      %dma_start3A_233 = arith.constant 0 : i32
      %dma_start3A_234 = tpu.memref_slice %arg11[%dma_start3A_232, %dma_start3A_233] : memref<32x128xf32, #tpu.memory_space<vmem_shared>> -> memref<32x128xf32, #tpu.memory_space<vmem_shared>>
      tpu.enqueue_indirect_dma source(%dma_start3A_234 : memref<32x128xf32, #tpu.memory_space<vmem_shared>>) target(%arg8 : memref<128x128xf32, #tpu.memory_space<vmem>>) offsets(%dma_start3A_231 : memref<128xi32, #tpu.memory_space<vmem>>) semaphore(%arg15 : memref<!tpu.dma_semaphore, #tpu.memory_space<semaphore_mem>>)
      %dma_wait3A_235 = arith.constant 3 : i32
      %dma_wait3A_236 = arith.constant 0 : i32
      %dma_wait3A_237 = tpu.memref_slice %arg5[%dma_wait3A_235, %dma_wait3A_236] : memref<4x128xi32, #tpu.memory_space<vmem>> -> memref<1x128xi32, #tpu.memory_space<vmem>>
      %dma_wait3A_238 = tpu.memref_squeeze %dma_wait3A_237 : memref<1x128xi32, #tpu.memory_space<vmem>> -> memref<128xi32, #tpu.memory_space<vmem>>
      %dma_wait3A_239 = arith.constant 0 : i32
      %dma_wait3A_240 = arith.constant 0 : i32
      %dma_wait3A_241 = tpu.memref_slice %arg11[%dma_wait3A_239, %dma_wait3A_240] : memref<32x128xf32, #tpu.memory_space<vmem_shared>> -> memref<32x128xf32, #tpu.memory_space<vmem_shared>>
      tpu.wait_indirect_dma semaphore(%arg17 : memref<!tpu.dma_semaphore, #tpu.memory_space<semaphore_mem>>) src(%dma_wait3A_241 : memref<32x128xf32, #tpu.memory_space<vmem_shared>>) dst(%arg10 : memref<128x128xf32, #tpu.memory_space<vmem>>)
      %mul3A_242 = arith.constant 32 : i32
      %mul3A_243 = arith.muli %mul3A_107, %mul3A_242 : i32
      %add3A_244 = arith.addi %mul3A_243, %add3A : i32
      %mul3A_245 = arith.constant 512 : i32
      %mul3A_246 = arith.muli %add3A_244, %mul3A_245 : i32
      %add3A_247 = arith.constant 384 : i32
      %add3A_248 = arith.addi %mul3A_246, %add3A_247 : i32
      %dma_start3A_249 = arith.constant 0 : i32
      %dma_start3A_250 = tpu.memref_slice %arg4[%add3A_248, %dma_start3A_249] : memref<3276800x128xf32, #tpu.memory_space<hbm>> -> memref<128x128xf32, #tpu.memory_space<hbm>>
      %dma_start3A_251 = arith.constant 0 : i32
      %dma_start3A_252 = tpu.memref_slice %arg4[%add3A_248, %dma_start3A_251] : memref<3276800x128xf32, #tpu.memory_space<hbm>> -> memref<128x128xf32, #tpu.memory_space<hbm>>
      tpu.enqueue_dma source(%arg10 : memref<128x128xf32, #tpu.memory_space<vmem>>) target(%dma_start3A_252 : memref<128x128xf32, #tpu.memory_space<hbm>>) target_semaphore(%arg21 : memref<!tpu.dma_semaphore, #tpu.memory_space<semaphore_mem>>)
      %add3A_253 = arith.constant 2 : i32
      %add3A_254 = arith.addi %mul3A_107, %add3A_253 : i32
      %min3A_255 = arith.constant 199 : i32
      %min3A_256 = arith.minsi %add3A_254, %min3A_255 : i32
      %mul3A_257 = arith.constant 32 : i32
      %mul3A_258 = arith.muli %min3A_256, %mul3A_257 : i32
      %add3A_259 = arith.addi %mul3A_258, %add3A : i32
      %mul3A_260 = arith.constant 4 : i32
      %mul3A_261 = arith.muli %add3A_259, %mul3A_260 : i32
      %dma_start3A_262 = arith.constant 0 : i32
      %dma_start3A_263 = arith.constant 0 : i32
      %dma_start3A_264 = tpu.memref_slice %arg5[%dma_start3A_262, %dma_start3A_263] : memref<4x128xi32, #tpu.memory_space<vmem>> -> memref<4x128xi32, #tpu.memory_space<vmem>>
      %dma_start3A_265 = arith.constant 0 : i32
      %dma_start3A_266 = tpu.memref_slice %arg3[%mul3A_261, %dma_start3A_265] : memref<25600x128xi32, #tpu.memory_space<hbm>> -> memref<4x128xi32, #tpu.memory_space<hbm>>
      %dma_start3A_267 = arith.constant 0 : i32
      %dma_start3A_268 = arith.constant 0 : i32
      %dma_start3A_269 = tpu.memref_slice %arg5[%dma_start3A_267, %dma_start3A_268] : memref<4x128xi32, #tpu.memory_space<vmem>> -> memref<4x128xi32, #tpu.memory_space<vmem>>
      %dma_start3A_270 = arith.constant 0 : i32
      %dma_start3A_271 = tpu.memref_slice %arg3[%mul3A_261, %dma_start3A_270] : memref<25600x128xi32, #tpu.memory_space<hbm>> -> memref<4x128xi32, #tpu.memory_space<hbm>>
      tpu.enqueue_dma source(%dma_start3A_271 : memref<4x128xi32, #tpu.memory_space<hbm>>) target(%dma_start3A_269 : memref<4x128xi32, #tpu.memory_space<vmem>>) target_semaphore(%arg12 : memref<!tpu.dma_semaphore, #tpu.memory_space<semaphore_mem>>)
      %mul3A_272 = arith.constant 2 : i32
      %mul3A_273 = arith.muli %mul3A_272, %scan3A_104 : i32
      %add3A_274 = arith.constant 1 : i32
      %add3A_275 = arith.addi %mul3A_273, %add3A_274 : i32
      %mul3A_276 = arith.constant 4 : i32
      %mul3A_277 = arith.muli %add3A_275, %mul3A_276 : i32
      %add3A_278 = arith.constant 0 : i32
      %add3A_279 = arith.addi %mul3A_277, %add3A_278 : i32
      %ge3A_280 = arith.constant 2 : i32
      %ge3A_281 = arith.cmpi sge, %add3A_279, %ge3A_280 : i32
      %convert_element_type3A_282 = arith.extui %ge3A_281 : i1 to i32
      %cond3A_283 = arith.constant 0 : i32
      %cond3A_284 = arith.cmpi ne, %convert_element_type3A_282, %cond3A_283 : i32
      scf.if %cond3A_284 {
        %dma_wait3A_442 = arith.constant 0 : i32
        %dma_wait3A_443 = tpu.memref_slice %arg4[%mul3A_2, %dma_wait3A_442] : memref<3276800x128xf32, #tpu.memory_space<hbm>> -> memref<128x128xf32, #tpu.memory_space<hbm>>
        %dma_wait3A_444 = arith.constant 0 : i32
        %dma_wait3A_445 = tpu.memref_slice %arg4[%mul3A_2, %dma_wait3A_444] : memref<3276800x128xf32, #tpu.memory_space<hbm>> -> memref<128x128xf32, #tpu.memory_space<hbm>>
        tpu.wait_dma2 semaphore(%arg20 : memref<!tpu.dma_semaphore, #tpu.memory_space<semaphore_mem>>) src(%arg9 : memref<128x128xf32, #tpu.memory_space<vmem>>) dst(%dma_wait3A_445 : memref<128x128xf32, #tpu.memory_space<hbm>>)
      } else {
      }
      %dma_start3A_285 = arith.constant 2 : i32
      %dma_start3A_286 = arith.constant 0 : i32
      %dma_start3A_287 = tpu.memref_slice %arg6[%dma_start3A_285, %dma_start3A_286] : memref<4x128xi32, #tpu.memory_space<vmem>> -> memref<1x128xi32, #tpu.memory_space<vmem>>
      %dma_start3A_288 = tpu.memref_squeeze %dma_start3A_287 : memref<1x128xi32, #tpu.memory_space<vmem>> -> memref<128xi32, #tpu.memory_space<vmem>>
      %dma_start3A_289 = arith.constant 0 : i32
      %dma_start3A_290 = arith.constant 0 : i32
      %dma_start3A_291 = tpu.memref_slice %arg11[%dma_start3A_289, %dma_start3A_290] : memref<32x128xf32, #tpu.memory_space<vmem_shared>> -> memref<32x128xf32, #tpu.memory_space<vmem_shared>>
      tpu.enqueue_indirect_dma source(%dma_start3A_291 : memref<32x128xf32, #tpu.memory_space<vmem_shared>>) target(%arg9 : memref<128x128xf32, #tpu.memory_space<vmem>>) offsets(%dma_start3A_288 : memref<128xi32, #tpu.memory_space<vmem>>) semaphore(%arg16 : memref<!tpu.dma_semaphore, #tpu.memory_space<semaphore_mem>>)
      %dma_wait3A_292 = arith.constant 0 : i32
      %dma_wait3A_293 = arith.constant 0 : i32
      %dma_wait3A_294 = tpu.memref_slice %arg6[%dma_wait3A_292, %dma_wait3A_293] : memref<4x128xi32, #tpu.memory_space<vmem>> -> memref<1x128xi32, #tpu.memory_space<vmem>>
      %dma_wait3A_295 = tpu.memref_squeeze %dma_wait3A_294 : memref<1x128xi32, #tpu.memory_space<vmem>> -> memref<128xi32, #tpu.memory_space<vmem>>
      %dma_wait3A_296 = arith.constant 0 : i32
      %dma_wait3A_297 = arith.constant 0 : i32
      %dma_wait3A_298 = tpu.memref_slice %arg11[%dma_wait3A_296, %dma_wait3A_297] : memref<32x128xf32, #tpu.memory_space<vmem_shared>> -> memref<32x128xf32, #tpu.memory_space<vmem_shared>>
      tpu.wait_indirect_dma semaphore(%arg14 : memref<!tpu.dma_semaphore, #tpu.memory_space<semaphore_mem>>) src(%dma_wait3A_298 : memref<32x128xf32, #tpu.memory_space<vmem_shared>>) dst(%arg7 : memref<128x128xf32, #tpu.memory_space<vmem>>)
      %mul3A_299 = arith.constant 32 : i32
      %mul3A_300 = arith.muli %add3A_275, %mul3A_299 : i32
      %add3A_301 = arith.addi %mul3A_300, %add3A : i32
      %mul3A_302 = arith.constant 512 : i32
      %mul3A_303 = arith.muli %add3A_301, %mul3A_302 : i32
      %add3A_304 = arith.constant 0 : i32
      %add3A_305 = arith.addi %mul3A_303, %add3A_304 : i32
      %dma_start3A_306 = arith.constant 0 : i32
      %dma_start3A_307 = tpu.memref_slice %arg4[%add3A_305, %dma_start3A_306] : memref<3276800x128xf32, #tpu.memory_space<hbm>> -> memref<128x128xf32, #tpu.memory_space<hbm>>
      %dma_start3A_308 = arith.constant 0 : i32
      %dma_start3A_309 = tpu.memref_slice %arg4[%add3A_305, %dma_start3A_308] : memref<3276800x128xf32, #tpu.memory_space<hbm>> -> memref<128x128xf32, #tpu.memory_space<hbm>>
      tpu.enqueue_dma source(%arg7 : memref<128x128xf32, #tpu.memory_space<vmem>>) target(%dma_start3A_309 : memref<128x128xf32, #tpu.memory_space<hbm>>) target_semaphore(%arg18 : memref<!tpu.dma_semaphore, #tpu.memory_space<semaphore_mem>>)
      %mul3A_310 = arith.constant 4 : i32
      %mul3A_311 = arith.muli %add3A_275, %mul3A_310 : i32
      %add3A_312 = arith.constant 1 : i32
      %add3A_313 = arith.addi %mul3A_311, %add3A_312 : i32
      %ge3A_314 = arith.constant 2 : i32
      %ge3A_315 = arith.cmpi sge, %add3A_313, %ge3A_314 : i32
      %convert_element_type3A_316 = arith.extui %ge3A_315 : i1 to i32
      %cond3A_317 = arith.constant 0 : i32
      %cond3A_318 = arith.cmpi ne, %convert_element_type3A_316, %cond3A_317 : i32
      scf.if %cond3A_318 {
        %dma_wait3A_442 = arith.constant 0 : i32
        %dma_wait3A_443 = tpu.memref_slice %arg4[%mul3A_2, %dma_wait3A_442] : memref<3276800x128xf32, #tpu.memory_space<hbm>> -> memref<128x128xf32, #tpu.memory_space<hbm>>
        %dma_wait3A_444 = arith.constant 0 : i32
        %dma_wait3A_445 = tpu.memref_slice %arg4[%mul3A_2, %dma_wait3A_444] : memref<3276800x128xf32, #tpu.memory_space<hbm>> -> memref<128x128xf32, #tpu.memory_space<hbm>>
        tpu.wait_dma2 semaphore(%arg21 : memref<!tpu.dma_semaphore, #tpu.memory_space<semaphore_mem>>) src(%arg10 : memref<128x128xf32, #tpu.memory_space<vmem>>) dst(%dma_wait3A_445 : memref<128x128xf32, #tpu.memory_space<hbm>>)
      } else {
      }
      %dma_start3A_319 = arith.constant 3 : i32
      %dma_start3A_320 = arith.constant 0 : i32
      %dma_start3A_321 = tpu.memref_slice %arg6[%dma_start3A_319, %dma_start3A_320] : memref<4x128xi32, #tpu.memory_space<vmem>> -> memref<1x128xi32, #tpu.memory_space<vmem>>
      %dma_start3A_322 = tpu.memref_squeeze %dma_start3A_321 : memref<1x128xi32, #tpu.memory_space<vmem>> -> memref<128xi32, #tpu.memory_space<vmem>>
      %dma_start3A_323 = arith.constant 0 : i32
      %dma_start3A_324 = arith.constant 0 : i32
      %dma_start3A_325 = tpu.memref_slice %arg11[%dma_start3A_323, %dma_start3A_324] : memref<32x128xf32, #tpu.memory_space<vmem_shared>> -> memref<32x128xf32, #tpu.memory_space<vmem_shared>>
      tpu.enqueue_indirect_dma source(%dma_start3A_325 : memref<32x128xf32, #tpu.memory_space<vmem_shared>>) target(%arg10 : memref<128x128xf32, #tpu.memory_space<vmem>>) offsets(%dma_start3A_322 : memref<128xi32, #tpu.memory_space<vmem>>) semaphore(%arg17 : memref<!tpu.dma_semaphore, #tpu.memory_space<semaphore_mem>>)
      %dma_wait3A_326 = arith.constant 1 : i32
      %dma_wait3A_327 = arith.constant 0 : i32
      %dma_wait3A_328 = tpu.memref_slice %arg6[%dma_wait3A_326, %dma_wait3A_327] : memref<4x128xi32, #tpu.memory_space<vmem>> -> memref<1x128xi32, #tpu.memory_space<vmem>>
      %dma_wait3A_329 = tpu.memref_squeeze %dma_wait3A_328 : memref<1x128xi32, #tpu.memory_space<vmem>> -> memref<128xi32, #tpu.memory_space<vmem>>
      %dma_wait3A_330 = arith.constant 0 : i32
      %dma_wait3A_331 = arith.constant 0 : i32
      %dma_wait3A_332 = tpu.memref_slice %arg11[%dma_wait3A_330, %dma_wait3A_331] : memref<32x128xf32, #tpu.memory_space<vmem_shared>> -> memref<32x128xf32, #tpu.memory_space<vmem_shared>>
      tpu.wait_indirect_dma semaphore(%arg15 : memref<!tpu.dma_semaphore, #tpu.memory_space<semaphore_mem>>) src(%dma_wait3A_332 : memref<32x128xf32, #tpu.memory_space<vmem_shared>>) dst(%arg8 : memref<128x128xf32, #tpu.memory_space<vmem>>)
      %mul3A_333 = arith.constant 32 : i32
      %mul3A_334 = arith.muli %add3A_275, %mul3A_333 : i32
      %add3A_335 = arith.addi %mul3A_334, %add3A : i32
      %mul3A_336 = arith.constant 512 : i32
      %mul3A_337 = arith.muli %add3A_335, %mul3A_336 : i32
      %add3A_338 = arith.constant 128 : i32
      %add3A_339 = arith.addi %mul3A_337, %add3A_338 : i32
      %dma_start3A_340 = arith.constant 0 : i32
      %dma_start3A_341 = tpu.memref_slice %arg4[%add3A_339, %dma_start3A_340] : memref<3276800x128xf32, #tpu.memory_space<hbm>> -> memref<128x128xf32, #tpu.memory_space<hbm>>
      %dma_start3A_342 = arith.constant 0 : i32
      %dma_start3A_343 = tpu.memref_slice %arg4[%add3A_339, %dma_start3A_342] : memref<3276800x128xf32, #tpu.memory_space<hbm>> -> memref<128x128xf32, #tpu.memory_space<hbm>>
      tpu.enqueue_dma source(%arg8 : memref<128x128xf32, #tpu.memory_space<vmem>>) target(%dma_start3A_343 : memref<128x128xf32, #tpu.memory_space<hbm>>) target_semaphore(%arg19 : memref<!tpu.dma_semaphore, #tpu.memory_space<semaphore_mem>>)
      %mul3A_344 = arith.constant 4 : i32
      %mul3A_345 = arith.muli %add3A_275, %mul3A_344 : i32
      %add3A_346 = arith.constant 2 : i32
      %add3A_347 = arith.addi %mul3A_345, %add3A_346 : i32
      %ge3A_348 = arith.constant 2 : i32
      %ge3A_349 = arith.cmpi sge, %add3A_347, %ge3A_348 : i32
      %convert_element_type3A_350 = arith.extui %ge3A_349 : i1 to i32
      %cond3A_351 = arith.constant 0 : i32
      %cond3A_352 = arith.cmpi ne, %convert_element_type3A_350, %cond3A_351 : i32
      scf.if %cond3A_352 {
        %dma_wait3A_442 = arith.constant 0 : i32
        %dma_wait3A_443 = tpu.memref_slice %arg4[%mul3A_2, %dma_wait3A_442] : memref<3276800x128xf32, #tpu.memory_space<hbm>> -> memref<128x128xf32, #tpu.memory_space<hbm>>
        %dma_wait3A_444 = arith.constant 0 : i32
        %dma_wait3A_445 = tpu.memref_slice %arg4[%mul3A_2, %dma_wait3A_444] : memref<3276800x128xf32, #tpu.memory_space<hbm>> -> memref<128x128xf32, #tpu.memory_space<hbm>>
        tpu.wait_dma2 semaphore(%arg18 : memref<!tpu.dma_semaphore, #tpu.memory_space<semaphore_mem>>) src(%arg7 : memref<128x128xf32, #tpu.memory_space<vmem>>) dst(%dma_wait3A_445 : memref<128x128xf32, #tpu.memory_space<hbm>>)
      } else {
      }
      %dma_wait3A_353 = arith.constant 0 : i32
      %dma_wait3A_354 = arith.constant 0 : i32
      %dma_wait3A_355 = tpu.memref_slice %arg5[%dma_wait3A_353, %dma_wait3A_354] : memref<4x128xi32, #tpu.memory_space<vmem>> -> memref<4x128xi32, #tpu.memory_space<vmem>>
      %dma_wait3A_356 = arith.constant 0 : i32
      %dma_wait3A_357 = tpu.memref_slice %arg3[%mul3A_8, %dma_wait3A_356] : memref<25600x128xi32, #tpu.memory_space<hbm>> -> memref<4x128xi32, #tpu.memory_space<hbm>>
      %dma_wait3A_358 = arith.constant 0 : i32
      %dma_wait3A_359 = arith.constant 0 : i32
      %dma_wait3A_360 = tpu.memref_slice %arg5[%dma_wait3A_358, %dma_wait3A_359] : memref<4x128xi32, #tpu.memory_space<vmem>> -> memref<4x128xi32, #tpu.memory_space<vmem>>
      %dma_wait3A_361 = arith.constant 0 : i32
      %dma_wait3A_362 = tpu.memref_slice %arg3[%mul3A_8, %dma_wait3A_361] : memref<25600x128xi32, #tpu.memory_space<hbm>> -> memref<4x128xi32, #tpu.memory_space<hbm>>
      tpu.wait_dma2 semaphore(%arg12 : memref<!tpu.dma_semaphore, #tpu.memory_space<semaphore_mem>>) src(%dma_wait3A_362 : memref<4x128xi32, #tpu.memory_space<hbm>>) dst(%dma_wait3A_360 : memref<4x128xi32, #tpu.memory_space<vmem>>)
      %dma_start3A_363 = arith.constant 0 : i32
      %dma_start3A_364 = arith.constant 0 : i32
      %dma_start3A_365 = tpu.memref_slice %arg5[%dma_start3A_363, %dma_start3A_364] : memref<4x128xi32, #tpu.memory_space<vmem>> -> memref<1x128xi32, #tpu.memory_space<vmem>>
      %dma_start3A_366 = tpu.memref_squeeze %dma_start3A_365 : memref<1x128xi32, #tpu.memory_space<vmem>> -> memref<128xi32, #tpu.memory_space<vmem>>
      %dma_start3A_367 = arith.constant 0 : i32
      %dma_start3A_368 = arith.constant 0 : i32
      %dma_start3A_369 = tpu.memref_slice %arg11[%dma_start3A_367, %dma_start3A_368] : memref<32x128xf32, #tpu.memory_space<vmem_shared>> -> memref<32x128xf32, #tpu.memory_space<vmem_shared>>
      tpu.enqueue_indirect_dma source(%dma_start3A_369 : memref<32x128xf32, #tpu.memory_space<vmem_shared>>) target(%arg7 : memref<128x128xf32, #tpu.memory_space<vmem>>) offsets(%dma_start3A_366 : memref<128xi32, #tpu.memory_space<vmem>>) semaphore(%arg14 : memref<!tpu.dma_semaphore, #tpu.memory_space<semaphore_mem>>)
      %dma_wait3A_370 = arith.constant 2 : i32
      %dma_wait3A_371 = arith.constant 0 : i32
      %dma_wait3A_372 = tpu.memref_slice %arg6[%dma_wait3A_370, %dma_wait3A_371] : memref<4x128xi32, #tpu.memory_space<vmem>> -> memref<1x128xi32, #tpu.memory_space<vmem>>
      %dma_wait3A_373 = tpu.memref_squeeze %dma_wait3A_372 : memref<1x128xi32, #tpu.memory_space<vmem>> -> memref<128xi32, #tpu.memory_space<vmem>>
      %dma_wait3A_374 = arith.constant 0 : i32
      %dma_wait3A_375 = arith.constant 0 : i32
      %dma_wait3A_376 = tpu.memref_slice %arg11[%dma_wait3A_374, %dma_wait3A_375] : memref<32x128xf32, #tpu.memory_space<vmem_shared>> -> memref<32x128xf32, #tpu.memory_space<vmem_shared>>
      tpu.wait_indirect_dma semaphore(%arg16 : memref<!tpu.dma_semaphore, #tpu.memory_space<semaphore_mem>>) src(%dma_wait3A_376 : memref<32x128xf32, #tpu.memory_space<vmem_shared>>) dst(%arg9 : memref<128x128xf32, #tpu.memory_space<vmem>>)
      %mul3A_377 = arith.constant 32 : i32
      %mul3A_378 = arith.muli %add3A_275, %mul3A_377 : i32
      %add3A_379 = arith.addi %mul3A_378, %add3A : i32
      %mul3A_380 = arith.constant 512 : i32
      %mul3A_381 = arith.muli %add3A_379, %mul3A_380 : i32
      %add3A_382 = arith.constant 256 : i32
      %add3A_383 = arith.addi %mul3A_381, %add3A_382 : i32
      %dma_start3A_384 = arith.constant 0 : i32
      %dma_start3A_385 = tpu.memref_slice %arg4[%add3A_383, %dma_start3A_384] : memref<3276800x128xf32, #tpu.memory_space<hbm>> -> memref<128x128xf32, #tpu.memory_space<hbm>>
      %dma_start3A_386 = arith.constant 0 : i32
      %dma_start3A_387 = tpu.memref_slice %arg4[%add3A_383, %dma_start3A_386] : memref<3276800x128xf32, #tpu.memory_space<hbm>> -> memref<128x128xf32, #tpu.memory_space<hbm>>
      tpu.enqueue_dma source(%arg9 : memref<128x128xf32, #tpu.memory_space<vmem>>) target(%dma_start3A_387 : memref<128x128xf32, #tpu.memory_space<hbm>>) target_semaphore(%arg20 : memref<!tpu.dma_semaphore, #tpu.memory_space<semaphore_mem>>)
      %mul3A_388 = arith.constant 4 : i32
      %mul3A_389 = arith.muli %add3A_275, %mul3A_388 : i32
      %add3A_390 = arith.constant 3 : i32
      %add3A_391 = arith.addi %mul3A_389, %add3A_390 : i32
      %ge3A_392 = arith.constant 2 : i32
      %ge3A_393 = arith.cmpi sge, %add3A_391, %ge3A_392 : i32
      %convert_element_type3A_394 = arith.extui %ge3A_393 : i1 to i32
      %cond3A_395 = arith.constant 0 : i32
      %cond3A_396 = arith.cmpi ne, %convert_element_type3A_394, %cond3A_395 : i32
      scf.if %cond3A_396 {
        %dma_wait3A_442 = arith.constant 0 : i32
        %dma_wait3A_443 = tpu.memref_slice %arg4[%mul3A_2, %dma_wait3A_442] : memref<3276800x128xf32, #tpu.memory_space<hbm>> -> memref<128x128xf32, #tpu.memory_space<hbm>>
        %dma_wait3A_444 = arith.constant 0 : i32
        %dma_wait3A_445 = tpu.memref_slice %arg4[%mul3A_2, %dma_wait3A_444] : memref<3276800x128xf32, #tpu.memory_space<hbm>> -> memref<128x128xf32, #tpu.memory_space<hbm>>
        tpu.wait_dma2 semaphore(%arg19 : memref<!tpu.dma_semaphore, #tpu.memory_space<semaphore_mem>>) src(%arg8 : memref<128x128xf32, #tpu.memory_space<vmem>>) dst(%dma_wait3A_445 : memref<128x128xf32, #tpu.memory_space<hbm>>)
      } else {
      }
      %dma_start3A_397 = arith.constant 1 : i32
      %dma_start3A_398 = arith.constant 0 : i32
      %dma_start3A_399 = tpu.memref_slice %arg5[%dma_start3A_397, %dma_start3A_398] : memref<4x128xi32, #tpu.memory_space<vmem>> -> memref<1x128xi32, #tpu.memory_space<vmem>>
      %dma_start3A_400 = tpu.memref_squeeze %dma_start3A_399 : memref<1x128xi32, #tpu.memory_space<vmem>> -> memref<128xi32, #tpu.memory_space<vmem>>
      %dma_start3A_401 = arith.constant 0 : i32
      %dma_start3A_402 = arith.constant 0 : i32
      %dma_start3A_403 = tpu.memref_slice %arg11[%dma_start3A_401, %dma_start3A_402] : memref<32x128xf32, #tpu.memory_space<vmem_shared>> -> memref<32x128xf32, #tpu.memory_space<vmem_shared>>
      tpu.enqueue_indirect_dma source(%dma_start3A_403 : memref<32x128xf32, #tpu.memory_space<vmem_shared>>) target(%arg8 : memref<128x128xf32, #tpu.memory_space<vmem>>) offsets(%dma_start3A_400 : memref<128xi32, #tpu.memory_space<vmem>>) semaphore(%arg15 : memref<!tpu.dma_semaphore, #tpu.memory_space<semaphore_mem>>)
      %dma_wait3A_404 = arith.constant 3 : i32
      %dma_wait3A_405 = arith.constant 0 : i32
      %dma_wait3A_406 = tpu.memref_slice %arg6[%dma_wait3A_404, %dma_wait3A_405] : memref<4x128xi32, #tpu.memory_space<vmem>> -> memref<1x128xi32, #tpu.memory_space<vmem>>
      %dma_wait3A_407 = tpu.memref_squeeze %dma_wait3A_406 : memref<1x128xi32, #tpu.memory_space<vmem>> -> memref<128xi32, #tpu.memory_space<vmem>>
      %dma_wait3A_408 = arith.constant 0 : i32
      %dma_wait3A_409 = arith.constant 0 : i32
      %dma_wait3A_410 = tpu.memref_slice %arg11[%dma_wait3A_408, %dma_wait3A_409] : memref<32x128xf32, #tpu.memory_space<vmem_shared>> -> memref<32x128xf32, #tpu.memory_space<vmem_shared>>
      tpu.wait_indirect_dma semaphore(%arg17 : memref<!tpu.dma_semaphore, #tpu.memory_space<semaphore_mem>>) src(%dma_wait3A_410 : memref<32x128xf32, #tpu.memory_space<vmem_shared>>) dst(%arg10 : memref<128x128xf32, #tpu.memory_space<vmem>>)
      %mul3A_411 = arith.constant 32 : i32
      %mul3A_412 = arith.muli %add3A_275, %mul3A_411 : i32
      %add3A_413 = arith.addi %mul3A_412, %add3A : i32
      %mul3A_414 = arith.constant 512 : i32
      %mul3A_415 = arith.muli %add3A_413, %mul3A_414 : i32
      %add3A_416 = arith.constant 384 : i32
      %add3A_417 = arith.addi %mul3A_415, %add3A_416 : i32
      %dma_start3A_418 = arith.constant 0 : i32
      %dma_start3A_419 = tpu.memref_slice %arg4[%add3A_417, %dma_start3A_418] : memref<3276800x128xf32, #tpu.memory_space<hbm>> -> memref<128x128xf32, #tpu.memory_space<hbm>>
      %dma_start3A_420 = arith.constant 0 : i32
      %dma_start3A_421 = tpu.memref_slice %arg4[%add3A_417, %dma_start3A_420] : memref<3276800x128xf32, #tpu.memory_space<hbm>> -> memref<128x128xf32, #tpu.memory_space<hbm>>
      tpu.enqueue_dma source(%arg10 : memref<128x128xf32, #tpu.memory_space<vmem>>) target(%dma_start3A_421 : memref<128x128xf32, #tpu.memory_space<hbm>>) target_semaphore(%arg21 : memref<!tpu.dma_semaphore, #tpu.memory_space<semaphore_mem>>)
      %add3A_422 = arith.constant 2 : i32
      %add3A_423 = arith.addi %add3A_275, %add3A_422 : i32
      %min3A_424 = arith.constant 199 : i32
      %min3A_425 = arith.minsi %add3A_423, %min3A_424 : i32
      %mul3A_426 = arith.constant 32 : i32
      %mul3A_427 = arith.muli %min3A_425, %mul3A_426 : i32
      %add3A_428 = arith.addi %mul3A_427, %add3A : i32
      %mul3A_429 = arith.constant 4 : i32
      %mul3A_430 = arith.muli %add3A_428, %mul3A_429 : i32
      %dma_start3A_431 = arith.constant 0 : i32
      %dma_start3A_432 = arith.constant 0 : i32
      %dma_start3A_433 = tpu.memref_slice %arg6[%dma_start3A_431, %dma_start3A_432] : memref<4x128xi32, #tpu.memory_space<vmem>> -> memref<4x128xi32, #tpu.memory_space<vmem>>
      %dma_start3A_434 = arith.constant 0 : i32
      %dma_start3A_435 = tpu.memref_slice %arg3[%mul3A_430, %dma_start3A_434] : memref<25600x128xi32, #tpu.memory_space<hbm>> -> memref<4x128xi32, #tpu.memory_space<hbm>>
      %dma_start3A_436 = arith.constant 0 : i32
      %dma_start3A_437 = arith.constant 0 : i32
      %dma_start3A_438 = tpu.memref_slice %arg6[%dma_start3A_436, %dma_start3A_437] : memref<4x128xi32, #tpu.memory_space<vmem>> -> memref<4x128xi32, #tpu.memory_space<vmem>>
      %dma_start3A_439 = arith.constant 0 : i32
      %dma_start3A_440 = tpu.memref_slice %arg3[%mul3A_430, %dma_start3A_439] : memref<25600x128xi32, #tpu.memory_space<hbm>> -> memref<4x128xi32, #tpu.memory_space<hbm>>
      tpu.enqueue_dma source(%dma_start3A_440 : memref<4x128xi32, #tpu.memory_space<hbm>>) target(%dma_start3A_438 : memref<4x128xi32, #tpu.memory_space<vmem>>) target_semaphore(%arg13 : memref<!tpu.dma_semaphore, #tpu.memory_space<semaphore_mem>>)
      %scan3A_441 = arith.constant 0 : i32
      scf.yield %scan3A_441 : i32
    }
    %scan3A_71 = arith.constant 100 : i32
    %dma_wait3A_72 = arith.constant 0 : i32
    %dma_wait3A_73 = arith.constant 0 : i32
    %dma_wait3A_74 = tpu.memref_slice %arg5[%dma_wait3A_72, %dma_wait3A_73] : memref<4x128xi32, #tpu.memory_space<vmem>> -> memref<1x128xi32, #tpu.memory_space<vmem>>
    %dma_wait3A_75 = tpu.memref_squeeze %dma_wait3A_74 : memref<1x128xi32, #tpu.memory_space<vmem>> -> memref<128xi32, #tpu.memory_space<vmem>>
    %dma_wait3A_76 = arith.constant 0 : i32
    %dma_wait3A_77 = arith.constant 0 : i32
    %dma_wait3A_78 = tpu.memref_slice %arg11[%dma_wait3A_76, %dma_wait3A_77] : memref<32x128xf32, #tpu.memory_space<vmem_shared>> -> memref<32x128xf32, #tpu.memory_space<vmem_shared>>
    tpu.wait_indirect_dma semaphore(%arg14 : memref<!tpu.dma_semaphore, #tpu.memory_space<semaphore_mem>>) src(%dma_wait3A_78 : memref<32x128xf32, #tpu.memory_space<vmem_shared>>) dst(%arg7 : memref<128x128xf32, #tpu.memory_space<vmem>>)
    %dma_wait3A_79 = arith.constant 1 : i32
    %dma_wait3A_80 = arith.constant 0 : i32
    %dma_wait3A_81 = tpu.memref_slice %arg5[%dma_wait3A_79, %dma_wait3A_80] : memref<4x128xi32, #tpu.memory_space<vmem>> -> memref<1x128xi32, #tpu.memory_space<vmem>>
    %dma_wait3A_82 = tpu.memref_squeeze %dma_wait3A_81 : memref<1x128xi32, #tpu.memory_space<vmem>> -> memref<128xi32, #tpu.memory_space<vmem>>
    %dma_wait3A_83 = arith.constant 0 : i32
    %dma_wait3A_84 = arith.constant 0 : i32
    %dma_wait3A_85 = tpu.memref_slice %arg11[%dma_wait3A_83, %dma_wait3A_84] : memref<32x128xf32, #tpu.memory_space<vmem_shared>> -> memref<32x128xf32, #tpu.memory_space<vmem_shared>>
    tpu.wait_indirect_dma semaphore(%arg15 : memref<!tpu.dma_semaphore, #tpu.memory_space<semaphore_mem>>) src(%dma_wait3A_85 : memref<32x128xf32, #tpu.memory_space<vmem_shared>>) dst(%arg8 : memref<128x128xf32, #tpu.memory_space<vmem>>)
    %dma_wait3A_86 = arith.constant 0 : i32
    %dma_wait3A_87 = tpu.memref_slice %arg4[%mul3A_2, %dma_wait3A_86] : memref<3276800x128xf32, #tpu.memory_space<hbm>> -> memref<128x128xf32, #tpu.memory_space<hbm>>
    %dma_wait3A_88 = arith.constant 0 : i32
    %dma_wait3A_89 = tpu.memref_slice %arg4[%mul3A_2, %dma_wait3A_88] : memref<3276800x128xf32, #tpu.memory_space<hbm>> -> memref<128x128xf32, #tpu.memory_space<hbm>>
    tpu.wait_dma2 semaphore(%arg20 : memref<!tpu.dma_semaphore, #tpu.memory_space<semaphore_mem>>) src(%arg9 : memref<128x128xf32, #tpu.memory_space<vmem>>) dst(%dma_wait3A_89 : memref<128x128xf32, #tpu.memory_space<hbm>>)
    %dma_wait3A_90 = arith.constant 0 : i32
    %dma_wait3A_91 = tpu.memref_slice %arg4[%mul3A_2, %dma_wait3A_90] : memref<3276800x128xf32, #tpu.memory_space<hbm>> -> memref<128x128xf32, #tpu.memory_space<hbm>>
    %dma_wait3A_92 = arith.constant 0 : i32
    %dma_wait3A_93 = tpu.memref_slice %arg4[%mul3A_2, %dma_wait3A_92] : memref<3276800x128xf32, #tpu.memory_space<hbm>> -> memref<128x128xf32, #tpu.memory_space<hbm>>
    tpu.wait_dma2 semaphore(%arg21 : memref<!tpu.dma_semaphore, #tpu.memory_space<semaphore_mem>>) src(%arg10 : memref<128x128xf32, #tpu.memory_space<vmem>>) dst(%dma_wait3A_93 : memref<128x128xf32, #tpu.memory_space<hbm>>)
    %dma_wait3A_94 = arith.constant 0 : i32
    %dma_wait3A_95 = arith.constant 0 : i32
    %dma_wait3A_96 = tpu.memref_slice %arg6[%dma_wait3A_94, %dma_wait3A_95] : memref<4x128xi32, #tpu.memory_space<vmem>> -> memref<4x128xi32, #tpu.memory_space<vmem>>
    %dma_wait3A_97 = arith.constant 0 : i32
    %dma_wait3A_98 = tpu.memref_slice %arg3[%mul3A_8, %dma_wait3A_97] : memref<25600x128xi32, #tpu.memory_space<hbm>> -> memref<4x128xi32, #tpu.memory_space<hbm>>
    %dma_wait3A_99 = arith.constant 0 : i32
    %dma_wait3A_100 = arith.constant 0 : i32
    %dma_wait3A_101 = tpu.memref_slice %arg6[%dma_wait3A_99, %dma_wait3A_100] : memref<4x128xi32, #tpu.memory_space<vmem>> -> memref<4x128xi32, #tpu.memory_space<vmem>>
    %dma_wait3A_102 = arith.constant 0 : i32
    %dma_wait3A_103 = tpu.memref_slice %arg3[%mul3A_8, %dma_wait3A_102] : memref<25600x128xi32, #tpu.memory_space<hbm>> -> memref<4x128xi32, #tpu.memory_space<hbm>>
    tpu.wait_dma2 semaphore(%arg13 : memref<!tpu.dma_semaphore, #tpu.memory_space<semaphore_mem>>) src(%dma_wait3A_103 : memref<4x128xi32, #tpu.memory_space<hbm>>) dst(%dma_wait3A_101 : memref<4x128xi32, #tpu.memory_space<vmem>>)
    return
  }
}

module attributes {stable_mosaic.version = 14 : i64} {
  func.func @_fuse_kernel(%arg0: memref<64x128xf32, #tpu.memory_space<vmem>>, %arg1: memref<32x128xf32, #tpu.memory_space<vmem>>) attributes {dimension_semantics = [], scalar_prefetch = 0 : i64, scratch_operands = 0 : i64, tpu.core_type = #tpu.core_type<tc>} {
    %iota3A = tpu.iota {dimensions = array<i32: 0>} : vector<32x64xi32>
    %iota3A_0 = tpu.iota {dimensions = array<i32: 1>} : vector<32x64xi32>
    %jit3A = arith.constant 8 : i32
    %div3A = vector.broadcast %jit3A : i32 to vector<32x64xi32>
    %div3A_1 = arith.divsi %iota3A, %div3A : vector<32x64xi32>
    %sign3A = arith.constant 0 : i32
    %sign3A_2 = vector.broadcast %sign3A : i32 to vector<32x64xi32>
    %sign3A_3 = arith.cmpi sgt, %iota3A, %sign3A_2 : vector<32x64xi32>
    %sign3A_4 = arith.extui %sign3A_3 : vector<32x64xi1> to vector<32x64xi32>
    %sign3A_5 = arith.constant 0 : i32
    %sign3A_6 = vector.broadcast %sign3A_5 : i32 to vector<32x64xi32>
    %sign3A_7 = arith.cmpi slt, %iota3A, %sign3A_6 : vector<32x64xi32>
    %sign3A_8 = arith.extui %sign3A_7 : vector<32x64xi1> to vector<32x64xi32>
    %sign3A_9 = arith.subi %sign3A_4, %sign3A_8 : vector<32x64xi32>
    %sign3A_10 = arith.constant 0 : i32
    %sign3A_11 = arith.cmpi sgt, %jit3A, %sign3A_10 : i32
    %sign3A_12 = arith.extui %sign3A_11 : i1 to i32
    %sign3A_13 = arith.constant 0 : i32
    %sign3A_14 = arith.cmpi slt, %jit3A, %sign3A_13 : i32
    %sign3A_15 = arith.extui %sign3A_14 : i1 to i32
    %sign3A_16 = arith.subi %sign3A_12, %sign3A_15 : i32
    %ne3A = vector.broadcast %sign3A_16 : i32 to vector<32x64xi32>
    %ne3A_17 = arith.cmpi ne, %sign3A_9, %ne3A : vector<32x64xi32>
    %rem3A = vector.broadcast %jit3A : i32 to vector<32x64xi32>
    %rem3A_18 = arith.remsi %iota3A, %rem3A : vector<32x64xi32>
    %ne3A_19 = arith.constant 0 : i32
    %ne3A_20 = vector.broadcast %ne3A_19 : i32 to vector<32x64xi32>
    %ne3A_21 = arith.cmpi ne, %rem3A_18, %ne3A_20 : vector<32x64xi32>
    %and3A = arith.andi %ne3A_17, %ne3A_21 : vector<32x64xi1>
    %sub3A = arith.constant 1 : i32
    %sub3A_22 = vector.broadcast %sub3A : i32 to vector<32x64xi32>
    %sub3A_23 = arith.subi %div3A_1, %sub3A_22 : vector<32x64xi32>
    %select_n3A = arith.select %and3A, %sub3A_23, %div3A_1 : vector<32x64xi1>, vector<32x64xi32>
    %eq3A = arith.cmpi eq, %iota3A_0, %select_n3A : vector<32x64xi32>
    %jit3A_24 = arith.constant 8 : i32
    %eq3A_25 = arith.constant 0 : i32
    %eq3A_26 = arith.cmpi eq, %jit3A_24, %eq3A_25 : i32
    %jit3A_27 = arith.constant 1 : i32
    %select_n3A_28 = arith.select %eq3A_26, %jit3A_27, %jit3A_24 : i32
    %rem3A_29 = vector.broadcast %select_n3A_28 : i32 to vector<32x64xi32>
    %rem3A_30 = arith.remsi %iota3A, %rem3A_29 : vector<32x64xi32>
    %ne3A_31 = arith.constant 0 : i32
    %ne3A_32 = vector.broadcast %ne3A_31 : i32 to vector<32x64xi32>
    %ne3A_33 = arith.cmpi ne, %rem3A_30, %ne3A_32 : vector<32x64xi32>
    %lt3A = arith.constant 0 : i32
    %lt3A_34 = vector.broadcast %lt3A : i32 to vector<32x64xi32>
    %lt3A_35 = arith.cmpi slt, %rem3A_30, %lt3A_34 : vector<32x64xi32>
    %lt3A_36 = arith.constant 0 : i32
    %lt3A_37 = arith.cmpi slt, %select_n3A_28, %lt3A_36 : i32
    %ne3A_38 = vector.broadcast %lt3A_37 : i1 to vector<32x64xi1>
    %ne3A_39 = vector.broadcast %ne3A_38 : vector<32x64xi1> to vector<32x64xi1>
    %ne3A_40 = arith.xori %lt3A_35, %ne3A_39 : vector<32x64xi1>
    %and3A_41 = arith.andi %ne3A_40, %ne3A_33 : vector<32x64xi1>
    %add3A = vector.broadcast %select_n3A_28 : i32 to vector<32x64xi32>
    %add3A_42 = arith.addi %rem3A_30, %add3A : vector<32x64xi32>
    %select_n3A_43 = arith.select %and3A_41, %add3A_42, %rem3A_30 : vector<32x64xi1>, vector<32x64xi32>
    %add3A_44 = arith.constant 8 : i32
    %add3A_45 = vector.broadcast %add3A_44 : i32 to vector<32x64xi32>
    %add3A_46 = arith.addi %add3A_45, %select_n3A_43 : vector<32x64xi32>
    %eq3A_47 = arith.cmpi eq, %iota3A_0, %add3A_46 : vector<32x64xi32>
    %or3A = arith.ori %eq3A, %eq3A_47 : vector<32x64xi1>
    %add3A_48 = arith.constant 24 : i32
    %add3A_49 = vector.broadcast %add3A_48 : i32 to vector<32x64xi32>
    %add3A_50 = arith.addi %add3A_49, %iota3A : vector<32x64xi32>
    %eq3A_51 = arith.cmpi eq, %iota3A_0, %add3A_50 : vector<32x64xi32>
    %or3A_52 = arith.ori %or3A, %eq3A_51 : vector<32x64xi1>
    %convert_element_type3A = arith.extui %or3A_52 : vector<32x64xi1> to vector<32x64xi32>
    %convert_element_type3A_53 = arith.sitofp %convert_element_type3A : vector<32x64xi32> to vector<32x64xf32>
    %get3A = arith.constant 0 : index
    %get3A_54 = arith.constant 0 : index
    %get3A_55 = vector.load %arg0[%get3A, %get3A_54] : memref<64x128xf32, #tpu.memory_space<vmem>>, vector<64x128xf32>
    %dot_general3A = arith.constant dense<0.000000e+00> : vector<32x128xf32>
    %dot_general3A_56 = tpu.matmul %convert_element_type3A_53, %get3A_55, %dot_general3A {dimension_numbers = #tpu.dot_dimension_numbers<[1], [0], [0], [1], [0, 0, 1, 1], [], []>, transpose_lhs_hint = false} : vector<32x64xf32>, vector<64x128xf32>, vector<32x128xf32> -> vector<32x128xf32>
    %swap3A = arith.constant 0 : index
    %swap3A_57 = arith.constant 0 : index
    %swap3A_58 = vector.load %arg1[%swap3A, %swap3A_57] : memref<32x128xf32, #tpu.memory_space<vmem>>, vector<32x128xf32>
    tpu.vector_store %arg1[%swap3A, %swap3A_57], %dot_general3A_56 {strides = array<i32>} : memref<32x128xf32, #tpu.memory_space<vmem>>, vector<32x128xf32>,
    return
  }
}

</mosaic_0001>

<sc_bundles>
// kernel: kernel.4.cloned.1.call-start
scs
__scs_entry_jumppad:
0x0: {  	(pc) =	sbr.rel $0x88, $3  }
0x1: {  	(tag) =	ssettag $0x0;
	lr =	simm.s32 $0x1  }
0x2: {  	[smem:$0x3F9D] =	sst lr;
	_ =	strace $0xD0000000  }
0x3: {  	_ = 	snop  }
0x4: {  	_ = 	snop  }
0x5: {  	_ = 	snop  }
0x6: {  	_ = 	snop  }
0x7: {  	_ = 	snop  }
__scs_overlays_trampoline_lowered:
0x8: {  	[smem:$0x3FAC] =	sst s0  }
0x9: {  	[smem:$0x3FAD] =	sst s1  }
0xa: {  	[smem:$0x3FAE] =	sst s2  }
0xb: {  	[smem:$0x3FAF] =	sst s3  }
0xc: {  	[smem:$0x3FB0] =	sst s4  }
0xd: {  	[smem:$0x3FB1] =	sst s5  }
0xe: {  	[smem:$0x3FB2] =	sst s6  }
0xf: {  	[smem:$0x3FB3] =	sst s7  }
0x10: {  	[smem:$0x3FB4] =	sst s8  }
0x11: {  	[smem:$0x3FB5] =	sst s9;
	s0 =	simm.s32 @!p0 $0x0  }
0x12: {  	s1 =	sld [smem:$0x3F9B];
	s0 =	simm.s32 @p0 $0x1  }
0x13: {  	[smem:$0x3FB6] =	sst s0;
	s0 =	simm.s32 @!p1 $0x0  }
0x14: {  	s2 =	sld [smem:$0x3F9A];
	s0 =	simm.s32 @p1 $0x1  }
0x15: {  	[smem:$0x3FB7] =	sst s0;
	s0 =	simm.s32 @!p2 $0x0  }
0x16: {  	s3 =	sld [smem:$0x3FDB];
	s0 =	simm.s32 @p2 $0x1  }
0x17: {  	s4 =	simm.s32 $0x1BF5;
	[smem:$0x3FB9] =	sst s0  }
0x18: {  	s0 =	sld [smem:$0x3F9C];
	_ =	swait.ge [sflag:s4], $0x0  }
0x19: {  	s7 =	sld [smem:$0x3F9D]  }
0x1a: {  	s8 =	sadd.s32 $0xFFFFE003, lr  }
0x1b: {  	s9 =	sadd.s32 $0xFFFFFEF7, lr;
	s5 =	simm.s32 $0xFFFFFFFF;
	p2 =	slt.u32 s8, $0xFFFFF086  }
0x1c: {  	p1 =	slt.u32 s9, $0xF7A;
	s5 =	simm.s32 @!p2 $0x0  }
0x1d: {  	s5 =	simm.s32 @p1 $0x1;
	p0 =	seq.s32 s7, s2  }
0x1e: {  	s7 =	smul.u32 @!p0 $0xF7A, s2;
	p2 =	seq.s32 @!p0 s5, $0x0  }
0x1f: {  	s9 =	smul.u32 $0xF7A, s1;
	s8 =	simm.s32 @!p0 $0x1BF5;
	p2 =	por !p2, p0  }
0x20: {  	[sflag:s8] =	ssyncset.s32 @!p0 $0xFFFFF086;
	s6 =	sadd.s32 @!p0 s3, s7;
	s7 =	simm.s32 @!p0 $0x108  }
0x21: {  	s3 =	sadd.s32 s3, s9;
	s6 =	sadd.s32 @!p0 $0x88, s6;
	s7 =	simm.s32 @p2 $0x1082  }
0x22: {  	[simem:s7], [sflag:s8] =	dma.local @!p0 [hbm:s6], $0xF7A  }
0x23: {  	s9 =	sor.u32 $0xD0000000, s2;
	s6 =	simm.s32 $0x108;
	_ =	swait.ge @!p0 [sflag:s8], $0x0  }
0x24: {  	s3 =	sadd.s32 $0x88, s3;
	s6 =	simm.s32 @!p1 $0x1082;
	[sflag:s4] =	ssyncset.s32 $0xFFFFF086  }
0x25: {  	[simem:s6], [sflag:s4] =	dma.local [hbm:s3], $0xF7A  }
0x26: {  	[smem:$0x3F9D] =	sst s1;
	(tag) =	ssettag s2;
	_ =	strace s9  }
0x27: {  	s1 =	sld [smem:$0x3FAD]  }
0x28: {  	s2 =	sld [smem:$0x3FAE]  }
0x29: {  	s4 =	sld [smem:$0x3FB0]  }
0x2a: {  	p0 =	seq.s32 s5, $0x0;
	s5 =	sld [smem:$0x3FB1]  }
0x2b: {  	s6 =	sld [smem:$0x3FB2]  }
0x2c: {  	s7 =	sld [smem:$0x3FB3]  }
0x2d: {  	s3 =	simm.s32 $0x108;
	s8 =	sld [smem:$0x3FB4]  }
0x2e: {  	s3 =	simm.s32 @!p0 $0x1082;
	s9 =	sld [smem:$0x3FB5]  }
0x2f: {  	lr =	sadd.s32 s0, s3;
	s0 =	sld [smem:$0x3FAC]  }
0x30: {  	s3 =	sld [smem:$0x3FAF]  }
0x31: {  	[smem:$0x3FB8] =	sst s10  }
0x32: {  	s10 =	sld [smem:$0x3FB6];
	_ =	sdelay $0x3  }
0x33: {  	p0 =	seq.s32 s10, $0x1;
	s10 =	sld [smem:$0x3FB8];
	_ =	sdelay $0x3  }
0x34: {  	[smem:$0x3FB8] =	sst s10  }
0x35: {  	s10 =	sld [smem:$0x3FB7];
	_ =	sdelay $0x3  }
0x36: {  	p1 =	seq.s32 s10, $0x1;
	s10 =	sld [smem:$0x3FB8];
	_ =	sdelay $0x3  }
0x37: {  	[smem:$0x3FB8] =	sst s10  }
0x38: {  	s10 =	sld [smem:$0x3FB9]  }
0x39: {  	_ = 	snop;
	(pc) =	sbr.ind lr, $3  }
0x3a: {  	_ = 	snop  }
0x3b: {  	_ = 	snop  }
0x3c: {  	p2 =	seq.s32 s10, $0x1;
	s10 =	sld [smem:$0x3FB8]  }
0x3d: {  	_ =	shalt  }
0x3e: {  	_ =	shalt  }
0x3f: {  	_ =	shalt  }
0x40: {  	_ =	shalt  }
0x41: {  	_ =	shalt  }
0x42: {  	_ =	shalt  }
0x43: {  	_ =	shalt  }
0x44: {  	_ =	shalt  }
0x45: {  	_ =	shalt  }
0x46: {  	_ =	shalt  }
0x47: {  	_ =	shalt  }
0x48: {  	_ =	shalt  }
0x49: {  	_ =	shalt  }
0x4a: {  	_ =	shalt  }
0x4b: {  	_ =	shalt  }
0x4c: {  	_ =	shalt  }
0x4d: {  	_ =	shalt  }
0x4e: {  	_ =	shalt  }
0x4f: {  	_ =	shalt  }
0x50: {  	_ =	shalt  }
0x51: {  	_ =	shalt  }
0x52: {  	_ =	shalt  }
0x53: {  	_ =	shalt  }
0x54: {  	_ =	shalt  }
0x55: {  	_ =	shalt  }
0x56: {  	_ =	shalt  }
0x57: {  	_ =	shalt  }
0x58: {  	_ =	shalt  }
0x59: {  	_ =	shalt  }
0x5a: {  	_ =	shalt  }
0x5b: {  	_ =	shalt  }
0x5c: {  	_ =	shalt  }
0x5d: {  	_ =	shalt  }
0x5e: {  	_ =	shalt  }
0x5f: {  	_ =	shalt  }
0x60: {  	_ =	shalt  }
0x61: {  	_ =	shalt  }
0x62: {  	_ =	shalt  }
0x63: {  	_ =	shalt  }
0x64: {  	_ =	shalt  }
0x65: {  	_ =	shalt  }
0x66: {  	_ =	shalt  }
0x67: {  	_ =	shalt  }
0x68: {  	_ =	shalt  }
0x69: {  	_ =	shalt  }
0x6a: {  	_ =	shalt  }
0x6b: {  	_ =	shalt  }
0x6c: {  	_ =	shalt  }
0x6d: {  	_ =	shalt  }
0x6e: {  	_ =	shalt  }
0x6f: {  	_ =	shalt  }
0x70: {  	_ =	shalt  }
0x71: {  	_ =	shalt  }
0x72: {  	_ =	shalt  }
0x73: {  	_ =	shalt  }
0x74: {  	_ =	shalt  }
0x75: {  	_ =	shalt  }
0x76: {  	_ =	shalt  }
0x77: {  	_ =	shalt  }
0x78: {  	_ =	shalt  }
0x79: {  	_ =	shalt  }
0x7a: {  	_ =	shalt  }
0x7b: {  	_ =	shalt  }
0x7c: {  	_ =	shalt  }
0x7d: {  	_ =	shalt  }
0x7e: {  	_ =	shalt  }
0x7f: {  	_ =	shalt  }
0x80: {  	_ =	shalt  }
0x81: {  	_ =	shalt  }
0x82: {  	_ =	shalt  }
0x83: {  	_ =	shalt  }
0x84: {  	_ =	shalt  }
0x85: {  	_ =	shalt  }
0x86: {  	_ =	shalt  }
0x87: {  	_ =	shalt  }
.Lfunc_end0:
.L_simem_size_0:
called_computation_lowered:
.L_overlay_start_0:
0x88: {  	s2 =	sld [smem:$0x3FD9]  }
0x89: {  	s3 =	sld [smem:$0x3FFE];
	_ =	sdelay $0x1  }
0x8a: {  	s1 =	srdreg.scid  }
0x8b: {  	s0 =	sand.u32 $0x1, s1  }
0x8c: {  	s17 =	sshll.u32 s0, $0xA;
	s2 =	sadd.s32 s3, s2  }
0x8d: {  	s2 =	sadd.s32 s2, s17  }
0x8e: {  	[smem:$0x3FC4] =	sst s2  }
0x8f: {  	_ = 	snop  }
0x90: {  	s2 =	sld [smem:$0x3FC9]  }
0x91: {  	s18 =	sld [smem:$0x3FD0];
	(tm) =	ssettm $0x1  }
0x92: {  	s4 =	sld [smem:$0x3FFB];
	_ =	sdelay $0x3  }
0x93: {  	_ =	strace s4  }
0x94: {  	s4 =	sld [smem:$0x3FFC];
	_ =	sdelay $0x3  }
0x95: {  	_ =	strace s4  }
0x96: {  	s4 =	sld [smem:$0x3FFD];
	_ =	sdelay $0x3  }
0x97: {  	_ =	strace s4  }
0x98: {  	_ =	strace $0x8FFFFFFF  }
0x99: {  	s19 =	sld [smem:$0x3FDB];
	_ =	sdelay $0x1  }
0x9a: {  	s5 =	simm.s32 $_scs_section_size  }
0x9b: {  	s6 =	simm.s32 $_size__tile_overlayer_lowered;
	s7 =	simm.s32 $_tile_overlayer_lowered  }
0x9c: {  	s22 =	simm.s32 $0x1BFF;
	s21 =	sshll.u32 s7, $0x1;
	s4 =	sadd.s32 s5, s19  }
0x9d: {  	s8 =	simm.s32 $0x0;
	s20 =	sshll.u32 s6, $0x1;
	s6 =	sadd.s32 s21, s4  }
0x9e: {  	[timem:s8], [sflag:s22] =	dma.local [hbm:s6], s20  }
0x9f: {  	_ =	swait.ge [sflag:s22], s20  }
0xa0: {  	s5 =	ssub.s32 $0x0, s20;
	[sflag:s22] =	ssyncset.done $0x0  }
0xa1: {  	[sflag:s22] =	ssyncadd.s32 s5;
	_ =	sdelay $0x1  }
0xa2: {  	s23 =	simm.s32 $0x1B8B  }
0xa3: {  	_ =	swait.ge [sflag:s23], $0x1  }
0xa4: {  	[sflag:s23] =	ssyncset.done $0x0  }
0xa5: {  	s25 =	simm.s32 $0x1B8E;
	s24 =	sld [smem:$0x3FFE];
	[sflag:s23] =	ssyncadd.s32 $0xFFFFFFFF  }
0xa6: {  	s26 =	simm.s32 $execute0_lowered;
	[smem:$0x3FD2] =	sst s25  }
0xa7: {  	s6 =	sshll.u32 s26, $0x1;
	_ =	strace $0x80000046;
	[dreg:$0x1] =	wrdreg $0xFFFFFFFF  }
0xa8: {  	s28 =	simm.s32 $_size_execute0_lowered;
	s4 =	sadd.s32 s4, s6;
	[dreg:$0x0] =	wrdreg $0x0  }
0xa9: {  	s6 =	sshll.u32 s28, $0x1;
	[dreg:$0x2] =	wrdreg s4  }
0xaa: {  	[dreg:$0x3] =	wrdreg s6  }
0xab: {  	[dreg:$0x4] =	wrdreg $0xC0  }
0xac: {  	_ =	task [dreg:s8], $0x5FFFF  }
0xad: {  	[dreg:$0x1] =	wrdreg $0xFFFFFFFF  }
0xae: {  	[dreg:$0x0] =	wrdreg $0x60  }
0xaf: {  	[dreg:$0x2] =	wrdreg s24  }
0xb0: {  	[dreg:$0x3] =	wrdreg s2  }
0xb1: {  	[dreg:$0x4] =	wrdreg s18  }
0xb2: {  	[dreg:$0x5] =	wrdreg $0x104000  }
0xb3: {  	[dreg:$0x6] =	wrdreg $0x9  }
0xb4: {  	_ =	task.clear_ibuf [dreg:s8], $0x7FFFF;
	_ =	strace $0x90000046  }
0xb5: {  	s29 =	simm.s32 $0x9;
	_ =	strace $0x80000048  }
0xb6: {  	_ =	swait.ge [sflag:s29], $0x1  }
0xb7: {  	[sflag:s29] =	ssyncadd.s32 $0xFFFFFFFF  }
0xb8: {  	_ =	strace $0x90000048  }
0xb9: {  	_ =	sfence  }
0xba: {  	s30 =	sld [smem:$0x0];
	_ =	sdelay $0x2  }
0xbb: {  	s31 =	sshll.u32 s1, $0xD;
	s1 =	sshrl.u32 s1, $0x2  }
0xbc: {  	s3 =	sand.u32 $0x4000, s31;
	s1 =	sadd.s32 s1, s30  }
0xbd: {  	s0 =	sor.u32 s3, s0;
	s1 =	sshll.u32 s1, $0x11  }
0xbe: {  	s0 =	sor.u32 s1, s0  }
0xbf: {  	s0 =	sadd.s32 $0x8F2B, s0  }
0xc0: {  	[sflag:s0] =	ssyncadd.remote.s32 $0x1  }
0xc1: {  	_ =	sfence.sel $0xFFFF  }
0xc2: {  	[dreg:$0x0] =	wrdreg $0xFFFFFFFF;
	(pc) =	sbr.abs _section_cstart, $3  }
0xc3: {  	[dreg:$0x1] =	wrdreg $0xFFFFFFFF  }
0xc4: {  	_ =	task.clear_ibuf [dreg:s8], $0x2FFFF;
	_ =	strace $0x9FFFFFFF  }
0xc5: {  	(tm) =	ssettm $0x7FFFFFFF  }
tec
execute0_lowered:
.L_overlay_start_1:
0x0: {  	(tag) =	ssettag $0x1  }
0x1: {  	s3 =	rddreg [dreg:$0x0]  }
0x2: {  	s4 =	rddreg [dreg:$0x1]  }
0x3: {  	s6 =	rddreg [dreg:$0x2]  }
0x4: {  	s1 =	rddreg [dreg:$0x3];
	s2 =	simm.s32 $0x0;
	s5 =	srdreg.scid  }
0x5: {  	s8 =	stileid.u32;
	s13 =	simm.s32 $0x100;
	s15 =	simm.s32 $0x180  }
0x6: {  	s14 =	simm.s32 $0x3;
	s16 =	simm.s32 $0x4;
	s17 =	simm.s32 $0x7  }
0x7: {  	s18 =	simm.s32 $0x2;
	s19 =	simm.s32 $0x5;
	s20 =	simm.s32 $0x8  }
0x8: {  	s21 =	simm.s32 $0x280;
	s23 =	simm.s32 $0x300;
	s22 =	simm.s32 $0x9  }
0x9: {  	s24 =	simm.s32 $0x380;
	[smem:$0x7FF] =	sst s2;
	s7 =	sand.u32 $0x1, s5  }
0xa: {  	s3 =	sadd.s32 $0x600, s3;
	s9 =	sshll.u32 s8, $0xA;
	s11 =	sshll.u32 s8, $0x7  }
0xb: {  	s31 =	sshll.u32 s8, $0xE;
	p0 =	sne.s32 s8, $0x0;
	s8 =	simm.s32 $0x1  }
0xc: {  	_ =	strace $0x80000047;
	s5 =	ssub.s32 $0x2, s7;
	s10 =	sshll.u32 s7, $0x9  }
0xd: {  	s28 =	sshll.u32 s7, $0x6;
	s11 =	sadd.s32 s11, s4;
	[dreg:$0x8] =	wrdreg s13  }
0xe: {  	s6 =	sadd.s32 s31, s6;
	s7 =	sshll.u32 s7, $0xD;
	[dreg:$0x9] =	wrdreg s15  }
0xf: {  	s13 =	simm.s32 $0x8400;
	s15 =	simm.s32 $0xC400;
	[dreg:$0xa] =	wrdreg s21  }
0x10: {  	s21 =	simm.s32 $0x6;
	[dreg:$0xb] =	wrdreg s23;
	s23 =	simm.s32 $0xA  }
0x11: {  	[dreg:$0xc] =	wrdreg s24;
	s24 =	simm.s32 $0x0;
	s9 =	sor.u32 s10, s9  }
0x12: {  	s12 =	sshrl.u32 s5, $0x1;
	s10 =	sadd.s32 s28, s11;
	s7 =	sadd.s32 s7, s6  }
0x13: {  	s11 =	simm.s32 $0x400;
	s9 =	sshrl.u32 s9, $0x3;
	s29 =	ssub.s32 s5, s12  }
0x14: {  	s30 =	sadd.s32 $0x1000, s10;
	s10 =	sadd.s32 $0x1800, s10;
	[dreg:$0x7] =	wrdreg s7  }
0x15: {  	s7 =	sshrl.u32 @!p0 s1, $0x3;
	s12 =	simm.s32 $0x4400;
	[dreg:$0x5] =	wrdreg s30  }
0x16: {  	s4 =	sadd.s32 s4, s9;
	[dreg:$0x6] =	wrdreg s10;
	s6 =	smax.u32 s29, $0x1  }
0x17: {  	s9 =	simm.s32 $0x200;
	s10 =	simm.s32 $0x80;
	s5 =	sadd.s32 $0x800, s4  }
.LBB2_1:
0x18: {  	s25 =	simm.s32 @!p0 $0x1C0B  }
0x19: {  	[spmem:s7], [sflag:s25] =	dma.local @!p0 [hbm:s3], $0x200  }
0x1a: {  	s25 =	simm.s32 @!p0 $0xB  }
0x1b: {  	_ =	swait.ge @!p0 [sflag:s25], $0x200  }
0x1c: {  	[sflag:s25] =	ssyncset.done @!p0 $0x0  }
0x1d: {  	[sflag:s25] =	ssyncadd.s32 @!p0 $0xFFFFFE00  }
0x1e: {  	[bflag:$0x0] =	sbarrier.arrive $0xFFFF  }
0x1f: {  	[tilespmem:s2], [sflag:$0x1] =	stream.linear.gather [hbm4b:s4+s2], $0x200, $0x38;
	[tilespmem:$0x10500] =	vst v63  }
0x20: {  	_ =	swait.ge [sflag:s8], $0x200  }
0x21: {  	[sflag:s8] =	ssyncset.done $0x0  }
0x22: {  	p1 =	por $0x1, $0x1;
	[sflag:s8] =	ssyncadd.s32 $0xFFFFFE00  }
0x23: {  	[tilespmem:s9], [sflag:$0x2] =	stream.linear.gather [hbm4b:s5+s2], $0x200, $0x38;
	[tilespmem:$0x10500] =	vst v63  }
0x24: {  	p1 =	por p1, p1  }
0x25: {  	[tilespmem:s11], [sflag:$0x3] =	stream.indirect.gather [spmem:s1], $0x80, s2, s10, $0xb8;
	[tilespmem:$0x10500] =	vst v63  }
0x26: {  	s25 =	simm.s32 @!p1 $0x9  }
0x27: {  	[tilespmem:s12], [sflag:$0x4] =	stream.indirect.gather [spmem:s1], $0x80, s10, s10, $0xb8;
	[tilespmem:$0x10500] =	vst v63  }
0x28: {  	_ =	swait.ge @!p1 [sflag:s25], $0x4000  }
0x29: {  	[sflag:s25] =	ssyncset.done @!p1 $0x0  }
0x2a: {  	s26 =	rddreg [dreg:$0x8];
	[sflag:s25] =	ssyncadd.s32 @!p1 $0xFFFFC000  }
0x2b: {  	[tilespmem:s13], [sflag:$0x5] =	stream.indirect.gather [spmem:s1], $0x80, s26, s10, $0xb8;
	[tilespmem:$0x10500] =	vst v63  }
0x2c: {  	_ =	swait.ge [sflag:s14], $0x4000  }
0x2d: {  	s31 =	rddreg [dreg:$0x7];
	[sflag:s14] =	ssyncset.done $0x0  }
0x2e: {  	s26 =	simm.s32 @!p1 $0xA;
	[sflag:s14] =	ssyncadd.s32 $0xFFFFC000;
	s25 =	sadd.s32 $0x0, s31  }
0x2f: {  	[hbm4b:s25+s2] =	stream.linear.scatter [tilespmem:s11], [sflag:$0x7], $0x4000, $0x38;
	[tilespmem:$0x10500] =	vst v63  }
0x30: {  	_ =	swait.ge @!p1 [sflag:s26], $0x4000  }
0x31: {  	[sflag:s26] =	ssyncset.done @!p1 $0x0  }
0x32: {  	s28 =	rddreg [dreg:$0x9];
	[sflag:s26] =	ssyncadd.s32 @!p1 $0xFFFFC000  }
0x33: {  	[tilespmem:s15], [sflag:$0x6] =	stream.indirect.gather [spmem:s1], $0x80, s28, s10, $0xb8;
	[tilespmem:$0x10500] =	vst v63  }
0x34: {  	_ =	swait.ge [sflag:s16], $0x4000  }
0x35: {  	[sflag:s16] =	ssyncset.done $0x0  }
0x36: {  	s0 =	sadd.s32 $0x800, s25;
	[sflag:s16] =	ssyncadd.s32 $0xFFFFC000  }
0x37: {  	[hbm4b:s0+s2] =	stream.linear.scatter [tilespmem:s12], [sflag:$0x8], $0x4000, $0x38;
	[tilespmem:$0x10500] =	vst v63  }
0x38: {  	_ =	swait.ge [sflag:s17], $0x4000  }
0x39: {  	[sflag:s17] =	ssyncset.done $0x0  }
0x3a: {  	[sflag:s17] =	ssyncadd.s32 $0xFFFFC000  }
0x3b: {  	_ =	swait.ge [sflag:s18], $0x200  }
0x3c: {  	[sflag:s18] =	ssyncset.done $0x0  }
0x3d: {  	[sflag:s18] =	ssyncadd.s32 $0xFFFFFE00  }
0x3e: {  	[tilespmem:s11], [sflag:$0x3] =	stream.indirect.gather [spmem:s1], $0x80, s9, s10, $0xb8;
	[tilespmem:$0x10500] =	vst v63  }
0x3f: {  	_ =	swait.ge [sflag:s19], $0x4000  }
0x40: {  	[sflag:s19] =	ssyncset.done $0x0  }
0x41: {  	s31 =	sadd.s32 $0x1000, s25;
	[sflag:s19] =	ssyncadd.s32 $0xFFFFC000  }
0x42: {  	[hbm4b:s31+s2] =	stream.linear.scatter [tilespmem:s13], [sflag:$0x9], $0x4000, $0x38;
	[tilespmem:$0x10500] =	vst v63  }
0x43: {  	_ =	swait.ge [sflag:s20], $0x4000  }
0x44: {  	[sflag:s20] =	ssyncset.done $0x0  }
0x45: {  	s0 =	rddreg [dreg:$0xa];
	[sflag:s20] =	ssyncadd.s32 $0xFFFFC000  }
0x46: {  	[tilespmem:s12], [sflag:$0x4] =	stream.indirect.gather [spmem:s1], $0x80, s0, s10, $0xb8;
	[tilespmem:$0x10500] =	vst v63  }
0x47: {  	_ =	swait.ge [sflag:s21], $0x4000  }
0x48: {  	[sflag:s21] =	ssyncset.done $0x0  }
0x49: {  	s29 =	smin.u32 s2, $0xC5;
	s28 =	sadd.s32 $0x1800, s25;
	[sflag:s21] =	ssyncadd.s32 $0xFFFFC000  }
0x4a: {  	[hbm4b:s28+s2] =	stream.linear.scatter [tilespmem:s15], [sflag:$0xA], $0x4000, $0x38;
	[tilespmem:$0x10500] =	vst v63  }
0x4b: {  	s31 =	rddreg [dreg:$0x5];
	s28 =	sshll.u32 s29, $0xB  }
0x4c: {  	s26 =	sadd.s32 s28, s31  }
0x4d: {  	[tilespmem:s2], [sflag:$0x1] =	stream.linear.gather [hbm4b:s26+s2], $0x200, $0x38;
	[tilespmem:$0x10500] =	vst v63  }
0x4e: {  	_ =	swait.ge [sflag:s22], $0x4000  }
0x4f: {  	[sflag:s22] =	ssyncset.done $0x0  }
0x50: {  	s0 =	rddreg [dreg:$0xb];
	[sflag:s22] =	ssyncadd.s32 $0xFFFFC000  }
0x51: {  	[tilespmem:s13], [sflag:$0x5] =	stream.indirect.gather [spmem:s1], $0x80, s0, s10, $0xb8;
	[tilespmem:$0x10500] =	vst v63  }
0x52: {  	_ =	swait.ge [sflag:s14], $0x4000  }
0x53: {  	[sflag:s14] =	ssyncset.done $0x0  }
0x54: {  	s31 =	sadd.s32 $0x40000, s25;
	[sflag:s14] =	ssyncadd.s32 $0xFFFFC000  }
0x55: {  	[hbm4b:s31+s2] =	stream.linear.scatter [tilespmem:s11], [sflag:$0x7], $0x4000, $0x38;
	[tilespmem:$0x10500] =	vst v63  }
0x56: {  	_ =	swait.ge [sflag:s23], $0x4000  }
0x57: {  	[sflag:s23] =	ssyncset.done $0x0  }
0x58: {  	s0 =	rddreg [dreg:$0xc];
	[sflag:s23] =	ssyncadd.s32 $0xFFFFC000  }
0x59: {  	[tilespmem:s15], [sflag:$0x6] =	stream.indirect.gather [spmem:s1], $0x80, s0, s10, $0xb8;
	[tilespmem:$0x10500] =	vst v63  }
0x5a: {  	_ =	swait.ge [sflag:s16], $0x4000  }
0x5b: {  	[sflag:s16] =	ssyncset.done $0x0  }
0x5c: {  	s31 =	sadd.s32 $0x40800, s25;
	[sflag:s16] =	ssyncadd.s32 $0xFFFFC000  }
0x5d: {  	[hbm4b:s31+s2] =	stream.linear.scatter [tilespmem:s12], [sflag:$0x8], $0x4000, $0x38;
	[tilespmem:$0x10500] =	vst v63  }
0x5e: {  	_ =	swait.ge [sflag:s17], $0x4000  }
0x5f: {  	[sflag:s17] =	ssyncset.done $0x0  }
0x60: {  	[sflag:s17] =	ssyncadd.s32 $0xFFFFC000  }
0x61: {  	_ =	swait.ge [sflag:s8], $0x200  }
0x62: {  	[sflag:s8] =	ssyncset.done $0x0  }
0x63: {  	[sflag:s8] =	ssyncadd.s32 $0xFFFFFE00  }
0x64: {  	[tilespmem:s11], [sflag:$0x3] =	stream.indirect.gather [spmem:s1], $0x80, s2, s10, $0xb8;
	[tilespmem:$0x10500] =	vst v63  }
0x65: {  	_ =	swait.ge [sflag:s19], $0x4000  }
0x66: {  	[sflag:s19] =	ssyncset.done $0x0  }
0x67: {  	s0 =	sadd.s32 $0x41000, s25;
	[sflag:s19] =	ssyncadd.s32 $0xFFFFC000  }
0x68: {  	[hbm4b:s0+s2] =	stream.linear.scatter [tilespmem:s13], [sflag:$0x9], $0x4000, $0x38;
	[tilespmem:$0x10500] =	vst v63  }
0x69: {  	_ =	swait.ge [sflag:s20], $0x4000  }
0x6a: {  	[sflag:s20] =	ssyncset.done $0x0  }
0x6b: {  	p6 =	por $0x0, $0x0;
	[sflag:s20] =	ssyncadd.s32 $0xFFFFC000  }
0x6c: {  	[tilespmem:s12], [sflag:$0x4] =	stream.indirect.gather [spmem:s1], $0x80, s10, s10, $0xb8;
	[tilespmem:$0x10500] =	vst v63  }
0x6d: {  	p1 =	por p6, p6;
	_ =	swait.ge [sflag:s21], $0x4000  }
0x6e: {  	s28 =	simm.s32 $0x100000;
	s26 =	simm.s32 $0x80000;
	[sflag:s21] =	ssyncset.done $0x0  }
0x6f: {  	s25 =	sadd.s32 $0x41800, s25;
	s31 =	smin.u32 s2, $0xC4;
	[sflag:s21] =	ssyncadd.s32 $0xFFFFC000  }
0x70: {  	[hbm4b:s25+s2] =	stream.linear.scatter [tilespmem:s15], [sflag:$0xA], $0x4000, $0x38;
	[tilespmem:$0x10500] =	vst v63  }
0x71: {  	s30 =	sshll.u32 s31, $0xB;
	s29 =	rddreg [dreg:$0x6];
	s25 =	simm.s32 $0x2  }
.LBB2_2:
0x72: {  	s31 =	simm.s32 @!p1 $0x9;
	s29 =	sadd.s32 s30, s29  }
0x73: {  	[tilespmem:s9], [sflag:$0x2] =	stream.linear.gather [hbm4b:s29+s2], $0x200, $0x38;
	[tilespmem:$0x10500] =	vst v63  }
0x74: {  	_ =	swait.ge @!p1 [sflag:s31], $0x4000  }
0x75: {  	[sflag:s31] =	ssyncset.done @!p1 $0x0  }
0x76: {  	s29 =	rddreg [dreg:$0x8];
	[sflag:s31] =	ssyncadd.s32 @!p1 $0xFFFFC000  }
0x77: {  	[tilespmem:s13], [sflag:$0x5] =	stream.indirect.gather [spmem:s1], $0x80, s29, s10, $0xb8;
	[tilespmem:$0x10500] =	vst v63  }
0x78: {  	_ =	swait.ge [sflag:s14], $0x4000  }
0x79: {  	s29 =	rddreg [dreg:$0x7];
	[sflag:s14] =	ssyncset.done $0x0  }
0x7a: {  	s31 =	simm.s32 @!p1 $0xA;
	[sflag:s14] =	ssyncadd.s32 $0xFFFFC000;
	s29 =	sadd.s32 s26, s29  }
0x7b: {  	[hbm4b:s29+s2] =	stream.linear.scatter [tilespmem:s11], [sflag:$0x7], $0x4000, $0x38;
	[tilespmem:$0x10500] =	vst v63  }
0x7c: {  	_ =	swait.ge @!p1 [sflag:s31], $0x4000  }
0x7d: {  	s30 =	smov.u32 s28;
	[sflag:s31] =	ssyncset.done @!p1 $0x0  }
0x7e: {  	s26 =	smov.u32 s30;
	s30 =	rddreg [dreg:$0x9];
	[sflag:s31] =	ssyncadd.s32 @!p1 $0xFFFFC000  }
0x7f: {  	[tilespmem:s15], [sflag:$0x6] =	stream.indirect.gather [spmem:s1], $0x80, s30, s10, $0xb8;
	[tilespmem:$0x10500] =	vst v63  }
0x80: {  	_ =	swait.ge [sflag:s16], $0x4000  }
0x81: {  	[sflag:s16] =	ssyncset.done $0x0  }
0x82: {  	s30 =	sadd.s32 $0x800, s29;
	[sflag:s16] =	ssyncadd.s32 $0xFFFFC000  }
0x83: {  	[hbm4b:s30+s2] =	stream.linear.scatter [tilespmem:s12], [sflag:$0x8], $0x4000, $0x38;
	[tilespmem:$0x10500] =	vst v63  }
0x84: {  	_ =	swait.ge [sflag:s17], $0x4000  }
0x85: {  	[sflag:s17] =	ssyncset.done $0x0  }
0x86: {  	[sflag:s17] =	ssyncadd.s32 $0xFFFFC000  }
0x87: {  	_ =	swait.ge [sflag:s18], $0x200  }
0x88: {  	[sflag:s18] =	ssyncset.done $0x0  }
0x89: {  	[sflag:s18] =	ssyncadd.s32 $0xFFFFFE00  }
0x8a: {  	[tilespmem:s11], [sflag:$0x3] =	stream.indirect.gather [spmem:s1], $0x80, s9, s10, $0xb8;
	[tilespmem:$0x10500] =	vst v63  }
0x8b: {  	_ =	swait.ge [sflag:s19], $0x4000  }
0x8c: {  	[sflag:s19] =	ssyncset.done $0x0  }
0x8d: {  	s30 =	sadd.s32 $0x1000, s29;
	[sflag:s19] =	ssyncadd.s32 $0xFFFFC000  }
0x8e: {  	[hbm4b:s30+s2] =	stream.linear.scatter [tilespmem:s13], [sflag:$0x9], $0x4000, $0x38;
	[tilespmem:$0x10500] =	vst v63  }
0x8f: {  	_ =	swait.ge [sflag:s20], $0x4000  }
0x90: {  	[sflag:s20] =	ssyncset.done $0x0  }
0x91: {  	s30 =	rddreg [dreg:$0xa];
	[sflag:s20] =	ssyncadd.s32 $0xFFFFC000  }
0x92: {  	[tilespmem:s12], [sflag:$0x4] =	stream.indirect.gather [spmem:s1], $0x80, s30, s10, $0xb8;
	[tilespmem:$0x10500] =	vst v63  }
0x93: {  	s0 =	smin.u32 s25, $0xC5;
	_ =	swait.ge [sflag:s21], $0x4000  }
0x94: {  	s0 =	sshll.u32 s0, $0xB;
	[sflag:s21] =	ssyncset.done $0x0  }
0x95: {  	s31 =	sadd.s32 $0x1800, s29;
	s30 =	rddreg [dreg:$0x5];
	[sflag:s21] =	ssyncadd.s32 $0xFFFFC000  }
0x96: {  	[hbm4b:s31+s2] =	stream.linear.scatter [tilespmem:s15], [sflag:$0xA], $0x4000, $0x38;
	[tilespmem:$0x10500] =	vst v63  }
0x97: {  	s0 =	sadd.s32 s0, s30  }
0x98: {  	[tilespmem:s2], [sflag:$0x1] =	stream.linear.gather [hbm4b:s0+s2], $0x200, $0x38;
	[tilespmem:$0x10500] =	vst v63  }
0x99: {  	_ =	swait.ge [sflag:s22], $0x4000  }
0x9a: {  	[sflag:s22] =	ssyncset.done $0x0  }
0x9b: {  	s31 =	rddreg [dreg:$0xb];
	[sflag:s22] =	ssyncadd.s32 $0xFFFFC000  }
0x9c: {  	[tilespmem:s13], [sflag:$0x5] =	stream.indirect.gather [spmem:s1], $0x80, s31, s10, $0xb8;
	[tilespmem:$0x10500] =	vst v63  }
0x9d: {  	_ =	swait.ge [sflag:s14], $0x4000  }
0x9e: {  	[sflag:s14] =	ssyncset.done $0x0  }
0x9f: {  	s31 =	sadd.s32 $0x40000, s29;
	[sflag:s14] =	ssyncadd.s32 $0xFFFFC000  }
0xa0: {  	[hbm4b:s31+s2] =	stream.linear.scatter [tilespmem:s11], [sflag:$0x7], $0x4000, $0x38;
	[tilespmem:$0x10500] =	vst v63  }
0xa1: {  	_ =	swait.ge [sflag:s23], $0x4000  }
0xa2: {  	[sflag:s23] =	ssyncset.done $0x0  }
0xa3: {  	s31 =	rddreg [dreg:$0xc];
	[sflag:s23] =	ssyncadd.s32 $0xFFFFC000  }
0xa4: {  	[tilespmem:s15], [sflag:$0x6] =	stream.indirect.gather [spmem:s1], $0x80, s31, s10, $0xb8;
	[tilespmem:$0x10500] =	vst v63  }
0xa5: {  	_ =	swait.ge [sflag:s16], $0x4000  }
0xa6: {  	[sflag:s16] =	ssyncset.done $0x0  }
0xa7: {  	s31 =	sadd.s32 $0x40800, s29;
	[sflag:s16] =	ssyncadd.s32 $0xFFFFC000  }
0xa8: {  	[hbm4b:s31+s2] =	stream.linear.scatter [tilespmem:s12], [sflag:$0x8], $0x4000, $0x38;
	[tilespmem:$0x10500] =	vst v63  }
0xa9: {  	_ =	swait.ge [sflag:s17], $0x4000  }
0xaa: {  	[sflag:s17] =	ssyncset.done $0x0  }
0xab: {  	[sflag:s17] =	ssyncadd.s32 $0xFFFFC000  }
0xac: {  	_ =	swait.ge [sflag:s8], $0x200  }
0xad: {  	[sflag:s8] =	ssyncset.done $0x0  }
0xae: {  	[sflag:s8] =	ssyncadd.s32 $0xFFFFFE00  }
0xaf: {  	[tilespmem:s11], [sflag:$0x3] =	stream.indirect.gather [spmem:s1], $0x80, s2, s10, $0xb8;
	[tilespmem:$0x10500] =	vst v63  }
0xb0: {  	_ =	swait.ge [sflag:s19], $0x4000  }
0xb1: {  	[sflag:s19] =	ssyncset.done $0x0  }
0xb2: {  	s31 =	sadd.s32 $0x41000, s29;
	[sflag:s19] =	ssyncadd.s32 $0xFFFFC000  }
0xb3: {  	[hbm4b:s31+s2] =	stream.linear.scatter [tilespmem:s13], [sflag:$0x9], $0x4000, $0x38;
	[tilespmem:$0x10500] =	vst v63  }
0xb4: {  	_ =	swait.ge [sflag:s20], $0x4000  }
0xb5: {  	p3 =	seq.s32 s28, $0x0;
	s28 =	sadd.s32 $0x80000, s28;
	[sflag:s20] =	ssyncset.done $0x0  }
0xb6: {  	p2 =	sne.s32 s28, $0x3200000;
	[sflag:s20] =	ssyncadd.s32 $0xFFFFC000  }
0xb7: {  	[tilespmem:s12], [sflag:$0x4] =	stream.indirect.gather [spmem:s1], $0x80, s10, s10, $0xb8;
	[tilespmem:$0x10500] =	vst v63  }
.Ltmp0:
0xb8: {  	_ = 	snop;
	(pc) =	sbr.rel @p2 .LBB2_2-.Ltmp0, $4  }
0xb9: {  	p1 =	por p3, p3;
	s0 =	smin.u32 s25, $0xC4;
	_ =	swait.ge [sflag:s21], $0x4000  }
0xba: {  	s25 =	sadd.s32 $0x2, s25;
	s30 =	sshll.u32 s0, $0xB;
	[sflag:s21] =	ssyncset.done $0x0  }
0xbb: {  	s31 =	sadd.s32 $0x41800, s29;
	s29 =	rddreg [dreg:$0x6];
	[sflag:s21] =	ssyncadd.s32 $0xFFFFC000  }
0xbc: {  	[hbm4b:s31+s2] =	stream.linear.scatter [tilespmem:s15], [sflag:$0xA], $0x4000, $0x38;
	[tilespmem:$0x10500] =	vst v63  }
0xbd: {  	s0 =	simm.s32 @!p1 $0x9;
	s28 =	sadd.s32 s30, s29  }
0xbe: {  	[tilespmem:s9], [sflag:$0x2] =	stream.linear.gather [hbm4b:s28+s2], $0x200, $0x38;
	[tilespmem:$0x10500] =	vst v63  }
0xbf: {  	_ =	swait.ge @!p1 [sflag:s0], $0x4000  }
0xc0: {  	[sflag:s0] =	ssyncset.done @!p1 $0x0  }
0xc1: {  	s29 =	rddreg [dreg:$0x8];
	[sflag:s0] =	ssyncadd.s32 @!p1 $0xFFFFC000  }
0xc2: {  	[tilespmem:s13], [sflag:$0x5] =	stream.indirect.gather [spmem:s1], $0x80, s29, s10, $0xb8;
	[tilespmem:$0x10500] =	vst v63  }
0xc3: {  	_ =	swait.ge [sflag:s14], $0x4000  }
0xc4: {  	s30 =	rddreg [dreg:$0x7];
	[sflag:s14] =	ssyncset.done $0x0  }
0xc5: {  	s0 =	simm.s32 @!p1 $0xA;
	[sflag:s14] =	ssyncadd.s32 $0xFFFFC000;
	s26 =	sadd.s32 s26, s30  }
0xc6: {  	[hbm4b:s26+s2] =	stream.linear.scatter [tilespmem:s11], [sflag:$0x7], $0x4000, $0x38;
	[tilespmem:$0x10500] =	vst v63  }
0xc7: {  	_ =	swait.ge @!p1 [sflag:s0], $0x4000  }
0xc8: {  	[sflag:s0] =	ssyncset.done @!p1 $0x0  }
0xc9: {  	s31 =	rddreg [dreg:$0x9];
	[sflag:s0] =	ssyncadd.s32 @!p1 $0xFFFFC000  }
0xca: {  	[tilespmem:s15], [sflag:$0x6] =	stream.indirect.gather [spmem:s1], $0x80, s31, s10, $0xb8;
	[tilespmem:$0x10500] =	vst v63  }
0xcb: {  	_ =	swait.ge [sflag:s16], $0x4000  }
0xcc: {  	[sflag:s16] =	ssyncset.done $0x0  }
0xcd: {  	s28 =	sadd.s32 $0x800, s26;
	[sflag:s16] =	ssyncadd.s32 $0xFFFFC000  }
0xce: {  	[hbm4b:s28+s2] =	stream.linear.scatter [tilespmem:s12], [sflag:$0x8], $0x4000, $0x38;
	[tilespmem:$0x10500] =	vst v63  }
0xcf: {  	_ =	swait.ge [sflag:s17], $0x4000  }
0xd0: {  	[sflag:s17] =	ssyncset.done $0x0  }
0xd1: {  	[sflag:s17] =	ssyncadd.s32 $0xFFFFC000  }
0xd2: {  	_ =	swait.ge [sflag:s18], $0x200  }
0xd3: {  	[sflag:s18] =	ssyncset.done $0x0  }
0xd4: {  	[sflag:s18] =	ssyncadd.s32 $0xFFFFFE00  }
0xd5: {  	[tilespmem:s11], [sflag:$0x3] =	stream.indirect.gather [spmem:s1], $0x80, s9, s10, $0xb8;
	[tilespmem:$0x10500] =	vst v63  }
0xd6: {  	_ =	swait.ge [sflag:s19], $0x4000  }
0xd7: {  	[sflag:s19] =	ssyncset.done $0x0  }
0xd8: {  	s29 =	sadd.s32 $0x1000, s26;
	[sflag:s19] =	ssyncadd.s32 $0xFFFFC000  }
0xd9: {  	[hbm4b:s29+s2] =	stream.linear.scatter [tilespmem:s13], [sflag:$0x9], $0x4000, $0x38;
	[tilespmem:$0x10500] =	vst v63  }
0xda: {  	_ =	swait.ge [sflag:s20], $0x4000  }
0xdb: {  	[sflag:s20] =	ssyncset.done $0x0  }
0xdc: {  	s30 =	rddreg [dreg:$0xa];
	[sflag:s20] =	ssyncadd.s32 $0xFFFFC000  }
0xdd: {  	[tilespmem:s12], [sflag:$0x4] =	stream.indirect.gather [spmem:s1], $0x80, s30, s10, $0xb8;
	[tilespmem:$0x10500] =	vst v63  }
0xde: {  	_ =	swait.ge [sflag:s21], $0x4000  }
0xdf: {  	[sflag:s21] =	ssyncset.done $0x0  }
0xe0: {  	s31 =	sadd.s32 $0x1800, s26;
	s30 =	smin.u32 s25, $0xC5;
	[sflag:s21] =	ssyncadd.s32 $0xFFFFC000  }
0xe1: {  	[hbm4b:s31+s2] =	stream.linear.scatter [tilespmem:s15], [sflag:$0xA], $0x4000, $0x38;
	[tilespmem:$0x10500] =	vst v63  }
0xe2: {  	s0 =	rddreg [dreg:$0x5];
	s31 =	sshll.u32 s30, $0xB  }
0xe3: {  	s0 =	sadd.s32 s31, s0  }
0xe4: {  	[tilespmem:s2], [sflag:$0x1] =	stream.linear.gather [hbm4b:s0+s2], $0x200, $0x38;
	[tilespmem:$0x10500] =	vst v63  }
0xe5: {  	_ =	swait.ge [sflag:s22], $0x4000  }
0xe6: {  	[sflag:s22] =	ssyncset.done $0x0  }
0xe7: {  	s29 =	rddreg [dreg:$0xb];
	[sflag:s22] =	ssyncadd.s32 $0xFFFFC000  }
0xe8: {  	[tilespmem:s13], [sflag:$0x5] =	stream.indirect.gather [spmem:s1], $0x80, s29, s10, $0xb8;
	[tilespmem:$0x10500] =	vst v63  }
0xe9: {  	_ =	swait.ge [sflag:s14], $0x4000  }
0xea: {  	[sflag:s14] =	ssyncset.done $0x0  }
0xeb: {  	s30 =	sadd.s32 $0x40000, s26;
	[sflag:s14] =	ssyncadd.s32 $0xFFFFC000  }
0xec: {  	[hbm4b:s30+s2] =	stream.linear.scatter [tilespmem:s11], [sflag:$0x7], $0x4000, $0x38;
	[tilespmem:$0x10500] =	vst v63  }
0xed: {  	_ =	swait.ge [sflag:s23], $0x4000  }
0xee: {  	[sflag:s23] =	ssyncset.done $0x0  }
0xef: {  	s31 =	rddreg [dreg:$0xc];
	[sflag:s23] =	ssyncadd.s32 $0xFFFFC000  }
0xf0: {  	[tilespmem:s15], [sflag:$0x6] =	stream.indirect.gather [spmem:s1], $0x80, s31, s10, $0xb8;
	[tilespmem:$0x10500] =	vst v63  }
0xf1: {  	_ =	swait.ge [sflag:s16], $0x4000  }
0xf2: {  	[sflag:s16] =	ssyncset.done $0x0  }
0xf3: {  	s28 =	sadd.s32 $0x40800, s26;
	[sflag:s16] =	ssyncadd.s32 $0xFFFFC000  }
0xf4: {  	[hbm4b:s28+s2] =	stream.linear.scatter [tilespmem:s12], [sflag:$0x8], $0x4000, $0x38;
	[tilespmem:$0x10500] =	vst v63  }
0xf5: {  	_ =	swait.ge [sflag:s17], $0x4000  }
0xf6: {  	[sflag:s17] =	ssyncset.done $0x0  }
0xf7: {  	[sflag:s17] =	ssyncadd.s32 $0xFFFFC000  }
0xf8: {  	_ =	swait.ge [sflag:s8], $0x200  }
0xf9: {  	[sflag:s8] =	ssyncset.done $0x0  }
0xfa: {  	[sflag:s8] =	ssyncadd.s32 $0xFFFFFE00  }
0xfb: {  	[tilespmem:s11], [sflag:$0x3] =	stream.indirect.gather [spmem:s1], $0x80, s2, s10, $0xb8;
	[tilespmem:$0x10500] =	vst v63  }
0xfc: {  	_ =	swait.ge [sflag:s19], $0x4000  }
0xfd: {  	[sflag:s19] =	ssyncset.done $0x0  }
0xfe: {  	s29 =	sadd.s32 $0x41000, s26;
	[sflag:s19] =	ssyncadd.s32 $0xFFFFC000  }
0xff: {  	[hbm4b:s29+s2] =	stream.linear.scatter [tilespmem:s13], [sflag:$0x9], $0x4000, $0x38;
	[tilespmem:$0x10500] =	vst v63  }
0x100: {  	_ =	swait.ge [sflag:s20], $0x4000  }
0x101: {  	[sflag:s20] =	ssyncset.done $0x0  }
0x102: {  	[sflag:s20] =	ssyncadd.s32 $0xFFFFC000  }
0x103: {  	[tilespmem:s12], [sflag:$0x4] =	stream.indirect.gather [spmem:s1], $0x80, s10, s10, $0xb8;
	[tilespmem:$0x10500] =	vst v63  }
0x104: {  	_ =	swait.ge [sflag:s21], $0x4000  }
0x105: {  	s26 =	sadd.s32 $0x41800, s26;
	s30 =	smin.u32 s25, $0xC4;
	[sflag:s21] =	ssyncset.done $0x0  }
0x106: {  	s0 =	sshll.u32 s30, $0xB;
	s31 =	rddreg [dreg:$0x6];
	[sflag:s21] =	ssyncadd.s32 $0xFFFFC000  }
0x107: {  	[hbm4b:s26+s2] =	stream.linear.scatter [tilespmem:s15], [sflag:$0xA], $0x4000, $0x38;
	[tilespmem:$0x10500] =	vst v63  }
0x108: {  	s0 =	sadd.s32 s0, s31  }
0x109: {  	[tilespmem:s9], [sflag:$0x2] =	stream.linear.gather [hbm4b:s0+s2], $0x200, $0x38;
	[tilespmem:$0x10500] =	vst v63  }
0x10a: {  	_ =	swait.ge [sflag:s14], $0x4000  }
0x10b: {  	[sflag:s14] =	ssyncset.done $0x0  }
0x10c: {  	[sflag:s14] =	ssyncadd.s32 $0xFFFFC000  }
0x10d: {  	_ =	swait.ge [sflag:s16], $0x4000  }
0x10e: {  	[sflag:s16] =	ssyncset.done $0x0  }
0x10f: {  	[sflag:s16] =	ssyncadd.s32 $0xFFFFC000  }
0x110: {  	_ =	swait.ge [sflag:s22], $0x4000  }
0x111: {  	[sflag:s22] =	ssyncset.done $0x0  }
0x112: {  	s24 =	sadd.s32 $0x1, s24;
	[sflag:s22] =	ssyncadd.s32 $0xFFFFC000  }
0x113: {  	p1 =	sne.s32 s24, s6;
	_ =	swait.ge [sflag:s23], $0x4000  }
.Ltmp1:
0x114: {  	[sflag:s23] =	ssyncset.done $0x0;
	(pc) =	sbr.rel @p1 .LBB2_1-.Ltmp1, $4  }
0x115: {  	[sflag:s23] =	ssyncadd.s32 $0xFFFFC000  }
0x116: {  	_ =	swait.ge [sflag:s18], $0x200  }
0x117: {  	[sflag:s18] =	ssyncset.done $0x0  }
0x118: {  	[sflag:s18] =	ssyncadd.s32 $0xFFFFFE00  }
0x119: {  	_ =	sfence.sel $0x180000  }
0x11a: {  	[bflag:$0x0] =	sbarrier.arrive $0xFFFF  }
0x11b: {  	_ =	strace $0x90000047  }
0x11c: {  	[bflag:$0x2] =	sbarrier.arrive $0xFFFF  }
0x11d: {  	s0 =	rddreg [dreg:$0x4]  }
0x11e: {  	s0 =	sadd.s32 @!p0 $0x100000, s0  }
0x11f: {  	[sflag:s0] =	ssyncadd.tile.s32 @!p0 $0x1;
	_ =	shalt  }
.Lfunc_end2:
_tile_overlayer_lowered:
.L_overlay_start_2:
0x120: {  	(tag) =	ssettag $0x2  }
0x121: {  	s0 =	rddreg [dreg:$0x0];
	s2 =	stileid.u32  }
0x122: {  	s1 =	rddreg [dreg:$0x1];
	p0 =	sne.s32 s2, $0x0  }
0x123: {  	s3 =	rddreg [dreg:$0x2];
	[bflag:$0x3] =	sbarrier.arrive $0xFFFF;
	s2 =	simm.s32 @!p0 $0x1C0B  }
0x124: {  	[timem:s3], [sflag:s2] =	dma.local @!p0 [hbm:s0], s1  }
0x125: {  	s0 =	simm.s32 @!p0 $0xB  }
0x126: {  	_ =	swait.ge @!p0 [sflag:s0], s1  }
0x127: {  	s1 =	ssub.s32 @!p0 $0x0, s1;
	[sflag:s0] =	ssyncset.done @!p0 $0x0  }
0x128: {  	[sflag:s0] =	ssyncadd.s32 @!p0 s1  }
0x129: {  	[bflag:$0x3] =	sbarrier.arrive $0xFFFF  }
0x12a: {  	_ =	shalt  }

</sc_bundles>
